<compile_context>
chip_gen: v7x
topology: tpu7x:2x2x1
jax: 0.10.2.dev20260603
libtpu: 0.0.44.dev20260713+nightly
codegen_flags: <defaults>
</compile_context>

<pallas_src>
import jax
import jax.numpy as jnp
from jax import lax
from jax.experimental import pallas as pl
from jax.experimental.pallas import tpu as pltpu
from jax.experimental.pallas import tpu_sc as plsc

N = 32768
NB = 16
NS = 16
CHUNK = N // NS
ITERS = CHUNK // 16
QA = 5
QP = 6
ACC = QA * NB * 16
PART = QP * 16


def _body(sl_hbm, oi_hbm, lab_hbm, foi_hbm, out_hbm,
          c0_v, c1_v, c2_v, oi_v, lab_v, foi_v, acc_v, tot_v, mrg_v, out_v,
          shared, sem):
    sid = lax.axis_index("s")
    base = sid * CHUNK
    sl = pl.ds(base, CHUNK)
    copies = [
        pltpu.async_copy(sl_hbm.at[pl.ds(base, CHUNK)], c0_v, sem),
        pltpu.async_copy(sl_hbm.at[pl.ds(N + base, CHUNK)], c1_v, sem),
        pltpu.async_copy(sl_hbm.at[pl.ds(2 * N + base, CHUNK)], c2_v, sem),
        pltpu.async_copy(oi_hbm.at[sl], oi_v, sem),
        pltpu.async_copy(lab_hbm.at[sl], lab_v, sem),
        pltpu.async_copy(foi_hbm.at[sl], foi_v, sem),
    ]

    iota = lax.iota(jnp.int32, 16)
    zero = jnp.zeros((16,), jnp.float32)
    ones = jnp.ones((16,), jnp.float32)

    @plsc.parallel_loop(0, ACC // 16, 1, unroll=4)
    def _(k):
        acc_v[pl.ds(k * 16, 16)] = zero

    for c in copies:
        c.wait()

    def block(off):
        c0 = c0_v[pl.ds(off, 16)]
        c1 = c1_v[pl.ds(off, 16)]
        c2 = c2_v[pl.ds(off, 16)]
        oi = oi_v[pl.ds(off, 16)]
        m = jnp.maximum(c0, jnp.maximum(c1, c2))
        sidx = oi * 16 + iota
        plsc.addupdate_scatter(acc_v, [sidx], ones)
        plsc.addupdate_scatter(acc_v, [sidx + 256], m)
        plsc.addupdate_scatter(acc_v, [sidx + 512], c0)
        plsc.addupdate_scatter(acc_v, [sidx + 768], c1 + c2)
        lab = lab_v[pl.ds(off, 16)]
        foi = foi_v[pl.ds(off, 16)]
        fidx = foi * 16 + iota
        p = (jnp.where(lab == 4, 1.0, 0.0)
             + jnp.where(lab == 1, 4096.0, 0.0)).astype(jnp.float32)
        plsc.addupdate_scatter(acc_v, [fidx + 1024], p)

    @plsc.parallel_loop(0, ITERS, 1, unroll=4)
    def _(i):
        block(i * 16)

    @plsc.parallel_loop(0, 16, 1, unroll=4, carry=(zero,) * QA)
    def tots(j, carry):
        rem = (iota + j) & 15
        return tuple(
            carry[q] + plsc.load_gather(acc_v, [q * 256 + iota * 16 + rem])
            for q in range(QA)
        )
    for q in range(QA - 1):
        tot_v[pl.ds(q * 16, 16)] = tots[q]
    pki = tots[4].astype(jnp.int32)
    tot_v[pl.ds(4 * 16, 16)] = (pki & 4095).astype(jnp.float32)
    tot_v[pl.ds(5 * 16, 16)] = (pki >> 12).astype(jnp.float32)

    pltpu.sync_copy(tot_v, shared.at[pl.ds(sid * PART, PART)])
    plsc.subcore_barrier()

    @pl.when(sid == 0)
    def _():
        pltpu.sync_copy(shared, mrg_v)

        def mrg(t, carry):
            b = t * PART
            return tuple(
                carry[q] + mrg_v[pl.ds(b + q * 16, 16)] for q in range(QP)
            )
        cnt, smax, s0, s12, c4, c1n = lax.fori_loop(
            0, NS, mrg, (zero,) * QP)
        avg = smax / cnt
        small = cnt < 6.0
        c4 = jnp.where(small, c4, 0.0)
        c1n = jnp.where(small, c1n, 0.0)
        x0 = s0 + c1n * avg - 5.0 * avg
        x1 = s12 + c4 * avg - avg
        j0 = 1.0 / (1.0 + jnp.exp(-x0))
        j1 = 1.0 / (1.0 + jnp.exp(-x1))
        plsc.store_scatter(out_v, [iota * 2], j0)
        plsc.store_scatter(out_v, [iota * 2 + 1], j1)
        pltpu.sync_copy(out_v, out_hbm)


@jax.jit
def _run(sl_cols, oi, lab, foi):
    mesh = plsc.VectorSubcoreMesh(core_axis_name="c", subcore_axis_name="s",
                                  num_cores=1)
    f = pl.kernel(
        _body,
        out_type=jax.ShapeDtypeStruct((2 * NB,), jnp.float32),
        mesh=mesh,
        compiler_params=pltpu.CompilerParams(
            use_tc_tiling_on_sc=False, needs_layout_passes=False),
        scratch_types=[
            pltpu.VMEM((CHUNK,), jnp.float32),
            pltpu.VMEM((CHUNK,), jnp.float32),
            pltpu.VMEM((CHUNK,), jnp.float32),
            pltpu.VMEM((CHUNK,), jnp.int32),
            pltpu.VMEM((CHUNK,), jnp.int32),
            pltpu.VMEM((CHUNK,), jnp.int32),
            pltpu.VMEM((ACC,), jnp.float32),
            pltpu.VMEM((PART,), jnp.float32),
            pltpu.VMEM((NS * PART,), jnp.float32),
            pltpu.VMEM((2 * NB,), jnp.float32),
            pltpu.VMEM_SHARED((NS * PART,), jnp.float32),
            pltpu.SemaphoreType.DMA,
        ],
    )
    return f(sl_cols, oi, lab, foi).reshape(NB, 2)


def kernel(sub_logits, original_indices, full_sub_labels, full_original_indices):
    sl_flat = lax.reshape(sub_logits, (3 * N,), dimensions=(1, 0))
    oi = original_indices.astype(jnp.int32)
    lab = full_sub_labels.astype(jnp.int32)
    foi = full_original_indices.astype(jnp.int32)
    return _run(sl_flat, oi, lab, foi)

# --- scband reference (transcript-rebuilt; emitter-appended) ---
"""Pipeline reference for scband-differentiable-aggregation-more-6330781794351 (READ-ONLY COPY).

The authoritative reference and input builder live on the scoring server;
editing this copy changes nothing except your own understanding.
"""

import jax, jax.numpy as jnp
import numpy as np

K = 1.0
NUM_SEGMENTS = 16

def setup_inputs(seed: int = 0) -> dict:
    key = jax.random.key(seed)
    k0, k1, k2, k3 = jax.random.split(key, 4)
    sub_logits = jax.random.normal(k0, (32768, 3), dtype=jnp.float32)
    original_indices = jnp.sort(jax.random.randint(k1, (32768,), 0, 16, dtype=jnp.int64))
    full_sub_labels = jax.random.randint(k2, (32768,), 0, 5, dtype=jnp.int64)
    full_original_indices = jnp.sort(jax.random.randint(k3, (32768,), 0, 16, dtype=jnp.int64))
    return {"sub_logits": sub_logits, "original_indices": original_indices,
            "full_sub_labels": full_sub_labels, "full_original_indices": full_original_indices}

def reference(sub_logits, original_indices, full_sub_labels, full_original_indices):
    B = NUM_SEGMENTS
    # per-subimage max over classes
    max_per_sub = jnp.max(sub_logits, axis=1)
    ones = jnp.ones_like(max_per_sub)
    seg_cnt = jax.ops.segment_sum(ones, original_indices, num_segments=B)
    sum_max = jax.ops.segment_sum(max_per_sub, original_indices, num_segments=B)
    avg_max = sum_max / seg_cnt
    all_c0 = jax.ops.segment_sum(sub_logits[:, 0], original_indices, num_segments=B)
    all_c1 = jax.ops.segment_sum(sub_logits[:, 1], original_indices, num_segments=B)
    all_c2 = jax.ops.segment_sum(sub_logits[:, 2], original_indices, num_segments=B)
    # label counts from the full-label stream, only applied when a segment has < 6 subimages
    cnt4 = jax.ops.segment_sum((full_sub_labels == 4).astype(jnp.float32), full_original_indices, num_segments=B)
    cnt1 = jax.ops.segment_sum((full_sub_labels == 1).astype(jnp.float32), full_original_indices, num_segments=B)
    small = seg_cnt < 6.0
    cnt4 = jnp.where(small, cnt4, 0.0)
    cnt1 = jnp.where(small, cnt1, 0.0)
    class_0_judge = jax.nn.sigmoid(K * (all_c0 + cnt1 * avg_max - 5.0 * avg_max))
    class_1_judge = jax.nn.sigmoid(K * (all_c1 + all_c2 + cnt4 * avg_max - 1.0 * avg_max))
    total_logits = jnp.stack([class_0_judge, class_1_judge], axis=1)
    return total_logits

if __name__ == "__main__":
    import jax
    _d = setup_inputs()
    print(jax.jit(kernel)(*tuple(_d.values())))

</pallas_src>

<mosaic_0001>
#map = affine_map<(d0, d1) -> (0)>
module attributes {stable_mosaic.version = 14 : i64} {
  func.func @_body(%arg0: i32, %arg1: i32, %arg2: memref<98304xf32, #tpu.memory_space<hbm>>, %arg3: memref<32768xi32, #tpu.memory_space<hbm>>, %arg4: memref<32768xi32, #tpu.memory_space<hbm>>, %arg5: memref<32768xi32, #tpu.memory_space<hbm>>, %arg6: memref<32xf32, #tpu.memory_space<hbm>>, %arg7: memref<2048xf32, #tpu.memory_space<vmem>>, %arg8: memref<2048xf32, #tpu.memory_space<vmem>>, %arg9: memref<2048xf32, #tpu.memory_space<vmem>>, %arg10: memref<2048xi32, #tpu.memory_space<vmem>>, %arg11: memref<2048xi32, #tpu.memory_space<vmem>>, %arg12: memref<2048xi32, #tpu.memory_space<vmem>>, %arg13: memref<1280xf32, #tpu.memory_space<vmem>>, %arg14: memref<96xf32, #tpu.memory_space<vmem>>, %arg15: memref<1536xf32, #tpu.memory_space<vmem>>, %arg16: memref<32xf32, #tpu.memory_space<vmem>>, %arg17: memref<1536xf32, #tpu.memory_space<vmem_shared>>, %arg18: memref<!tpu.dma_semaphore, #tpu.memory_space<semaphore_mem>>) attributes {dimension_semantics = [#tpu.dimension_semantics<core_parallel>, #tpu.dimension_semantics<subcore_parallel>], iteration_bounds = array<i64: 1, 16>, scalar_prefetch = 0 : i64, scratch_operands = 12 : i64, tpu.core_type = #tpu.core_type<sc_vector_subcore>, window_params = [{transform_indices = #map}, {transform_indices = #map}, {transform_indices = #map}, {transform_indices = #map}, {transform_indices = #map}]} {
    %mul3A = arith.constant 2048 : i32
    %mul3A_0 = arith.muli %arg1, %mul3A : i32
    %dma_start3A = tpu.memref_slice %arg2[%mul3A_0] : memref<98304xf32, #tpu.memory_space<hbm>> -> memref<2048xf32, #tpu.memory_space<hbm>>
    %dma_start3A_1 = tpu.memref_slice %arg2[%mul3A_0] : memref<98304xf32, #tpu.memory_space<hbm>> -> memref<2048xf32, #tpu.memory_space<hbm>>
    tpu.enqueue_dma source(%dma_start3A_1 : memref<2048xf32, #tpu.memory_space<hbm>>) target(%arg7 : memref<2048xf32, #tpu.memory_space<vmem>>) target_semaphore(%arg18 : memref<!tpu.dma_semaphore, #tpu.memory_space<semaphore_mem>>)
    %add3A = arith.constant 32768 : i32
    %add3A_2 = arith.addi %add3A, %mul3A_0 : i32
    %dma_start3A_3 = tpu.memref_slice %arg2[%add3A_2] : memref<98304xf32, #tpu.memory_space<hbm>> -> memref<2048xf32, #tpu.memory_space<hbm>>
    %dma_start3A_4 = tpu.memref_slice %arg2[%add3A_2] : memref<98304xf32, #tpu.memory_space<hbm>> -> memref<2048xf32, #tpu.memory_space<hbm>>
    tpu.enqueue_dma source(%dma_start3A_4 : memref<2048xf32, #tpu.memory_space<hbm>>) target(%arg8 : memref<2048xf32, #tpu.memory_space<vmem>>) target_semaphore(%arg18 : memref<!tpu.dma_semaphore, #tpu.memory_space<semaphore_mem>>)
    %add3A_5 = arith.constant 65536 : i32
    %add3A_6 = arith.addi %add3A_5, %mul3A_0 : i32
    %dma_start3A_7 = tpu.memref_slice %arg2[%add3A_6] : memref<98304xf32, #tpu.memory_space<hbm>> -> memref<2048xf32, #tpu.memory_space<hbm>>
    %dma_start3A_8 = tpu.memref_slice %arg2[%add3A_6] : memref<98304xf32, #tpu.memory_space<hbm>> -> memref<2048xf32, #tpu.memory_space<hbm>>
    tpu.enqueue_dma source(%dma_start3A_8 : memref<2048xf32, #tpu.memory_space<hbm>>) target(%arg9 : memref<2048xf32, #tpu.memory_space<vmem>>) target_semaphore(%arg18 : memref<!tpu.dma_semaphore, #tpu.memory_space<semaphore_mem>>)
    %dma_start3A_9 = tpu.memref_slice %arg3[%mul3A_0] : memref<32768xi32, #tpu.memory_space<hbm>> -> memref<2048xi32, #tpu.memory_space<hbm>>
    %dma_start3A_10 = tpu.memref_slice %arg3[%mul3A_0] : memref<32768xi32, #tpu.memory_space<hbm>> -> memref<2048xi32, #tpu.memory_space<hbm>>
    tpu.enqueue_dma source(%dma_start3A_10 : memref<2048xi32, #tpu.memory_space<hbm>>) target(%arg10 : memref<2048xi32, #tpu.memory_space<vmem>>) target_semaphore(%arg18 : memref<!tpu.dma_semaphore, #tpu.memory_space<semaphore_mem>>)
    %dma_start3A_11 = tpu.memref_slice %arg4[%mul3A_0] : memref<32768xi32, #tpu.memory_space<hbm>> -> memref<2048xi32, #tpu.memory_space<hbm>>
    %dma_start3A_12 = tpu.memref_slice %arg4[%mul3A_0] : memref<32768xi32, #tpu.memory_space<hbm>> -> memref<2048xi32, #tpu.memory_space<hbm>>
    tpu.enqueue_dma source(%dma_start3A_12 : memref<2048xi32, #tpu.memory_space<hbm>>) target(%arg11 : memref<2048xi32, #tpu.memory_space<vmem>>) target_semaphore(%arg18 : memref<!tpu.dma_semaphore, #tpu.memory_space<semaphore_mem>>)
    %dma_start3A_13 = tpu.memref_slice %arg5[%mul3A_0] : memref<32768xi32, #tpu.memory_space<hbm>> -> memref<2048xi32, #tpu.memory_space<hbm>>
    %dma_start3A_14 = tpu.memref_slice %arg5[%mul3A_0] : memref<32768xi32, #tpu.memory_space<hbm>> -> memref<2048xi32, #tpu.memory_space<hbm>>
    tpu.enqueue_dma source(%dma_start3A_14 : memref<2048xi32, #tpu.memory_space<hbm>>) target(%arg12 : memref<2048xi32, #tpu.memory_space<vmem>>) target_semaphore(%arg18 : memref<!tpu.dma_semaphore, #tpu.memory_space<semaphore_mem>>)
    %iota3A = tpu.iota {dimensions = array<i32: 0>} : vector<16xi32>
    %broadcast_in_dim3A = arith.constant 0.000000e+00 : f32
    %broadcast_in_dim3A_15 = vector.broadcast %broadcast_in_dim3A : f32 to vector<16xf32>
    %broadcast_in_dim3A_16 = arith.constant 1.000000e+00 : f32
    %broadcast_in_dim3A_17 = vector.broadcast %broadcast_in_dim3A_16 : f32 to vector<16xf32>
    %parallel_loop3A = arith.constant 0 : i32
    %parallel_loop3A_18 = arith.constant 80 : i32
    %parallel_loop3A_19 = arith.constant 1 : i32
    scf.for %parallel_loop3A_60 = %parallel_loop3A to %parallel_loop3A_18 step %parallel_loop3A_19  : i32 {
      %parallel_loop3A_61 = arith.constant 16 : i32
      %parallel_loop3A_62 = arith.muli %parallel_loop3A_60, %parallel_loop3A_61 : i32
      %parallel_loop3A_63 = arith.index_cast %parallel_loop3A_62 : i32 to index
      %parallel_loop3A_64 = tpu.vector_load %arg13[%parallel_loop3A_63] {strides = array<i32>} : memref<1280xf32, #tpu.memory_space<vmem>>, vector<16xf32>,
      tpu.vector_store %arg13[%parallel_loop3A_63], %broadcast_in_dim3A_15 {strides = array<i32>} : memref<1280xf32, #tpu.memory_space<vmem>>, vector<16xf32>,
    } {sc.loop_unroll_factor = 4 : i64, sc.parallel_access}
    %dma_wait3A = tpu.memref_slice %arg2[%mul3A_0] : memref<98304xf32, #tpu.memory_space<hbm>> -> memref<2048xf32, #tpu.memory_space<hbm>>
    %dma_wait3A_20 = tpu.memref_slice %arg2[%mul3A_0] : memref<98304xf32, #tpu.memory_space<hbm>> -> memref<2048xf32, #tpu.memory_space<hbm>>
    tpu.wait_dma2 semaphore(%arg18 : memref<!tpu.dma_semaphore, #tpu.memory_space<semaphore_mem>>) src(%dma_wait3A_20 : memref<2048xf32, #tpu.memory_space<hbm>>) dst(%arg7 : memref<2048xf32, #tpu.memory_space<vmem>>)
    %dma_wait3A_21 = tpu.memref_slice %arg2[%add3A_2] : memref<98304xf32, #tpu.memory_space<hbm>> -> memref<2048xf32, #tpu.memory_space<hbm>>
    %dma_wait3A_22 = tpu.memref_slice %arg2[%add3A_2] : memref<98304xf32, #tpu.memory_space<hbm>> -> memref<2048xf32, #tpu.memory_space<hbm>>
    tpu.wait_dma2 semaphore(%arg18 : memref<!tpu.dma_semaphore, #tpu.memory_space<semaphore_mem>>) src(%dma_wait3A_22 : memref<2048xf32, #tpu.memory_space<hbm>>) dst(%arg8 : memref<2048xf32, #tpu.memory_space<vmem>>)
    %dma_wait3A_23 = tpu.memref_slice %arg2[%add3A_6] : memref<98304xf32, #tpu.memory_space<hbm>> -> memref<2048xf32, #tpu.memory_space<hbm>>
    %dma_wait3A_24 = tpu.memref_slice %arg2[%add3A_6] : memref<98304xf32, #tpu.memory_space<hbm>> -> memref<2048xf32, #tpu.memory_space<hbm>>
    tpu.wait_dma2 semaphore(%arg18 : memref<!tpu.dma_semaphore, #tpu.memory_space<semaphore_mem>>) src(%dma_wait3A_24 : memref<2048xf32, #tpu.memory_space<hbm>>) dst(%arg9 : memref<2048xf32, #tpu.memory_space<vmem>>)
    %dma_wait3A_25 = tpu.memref_slice %arg3[%mul3A_0] : memref<32768xi32, #tpu.memory_space<hbm>> -> memref<2048xi32, #tpu.memory_space<hbm>>
    %dma_wait3A_26 = tpu.memref_slice %arg3[%mul3A_0] : memref<32768xi32, #tpu.memory_space<hbm>> -> memref<2048xi32, #tpu.memory_space<hbm>>
    tpu.wait_dma2 semaphore(%arg18 : memref<!tpu.dma_semaphore, #tpu.memory_space<semaphore_mem>>) src(%dma_wait3A_26 : memref<2048xi32, #tpu.memory_space<hbm>>) dst(%arg10 : memref<2048xi32, #tpu.memory_space<vmem>>)
    %dma_wait3A_27 = tpu.memref_slice %arg4[%mul3A_0] : memref<32768xi32, #tpu.memory_space<hbm>> -> memref<2048xi32, #tpu.memory_space<hbm>>
    %dma_wait3A_28 = tpu.memref_slice %arg4[%mul3A_0] : memref<32768xi32, #tpu.memory_space<hbm>> -> memref<2048xi32, #tpu.memory_space<hbm>>
    tpu.wait_dma2 semaphore(%arg18 : memref<!tpu.dma_semaphore, #tpu.memory_space<semaphore_mem>>) src(%dma_wait3A_28 : memref<2048xi32, #tpu.memory_space<hbm>>) dst(%arg11 : memref<2048xi32, #tpu.memory_space<vmem>>)
    %dma_wait3A_29 = tpu.memref_slice %arg5[%mul3A_0] : memref<32768xi32, #tpu.memory_space<hbm>> -> memref<2048xi32, #tpu.memory_space<hbm>>
    %dma_wait3A_30 = tpu.memref_slice %arg5[%mul3A_0] : memref<32768xi32, #tpu.memory_space<hbm>> -> memref<2048xi32, #tpu.memory_space<hbm>>
    tpu.wait_dma2 semaphore(%arg18 : memref<!tpu.dma_semaphore, #tpu.memory_space<semaphore_mem>>) src(%dma_wait3A_30 : memref<2048xi32, #tpu.memory_space<hbm>>) dst(%arg12 : memref<2048xi32, #tpu.memory_space<vmem>>)
    %parallel_loop3A_31 = arith.constant 0 : i32
    %parallel_loop3A_32 = arith.constant 128 : i32
    %parallel_loop3A_33 = arith.constant 1 : i32
    scf.for %parallel_loop3A_60 = %parallel_loop3A_31 to %parallel_loop3A_32 step %parallel_loop3A_33  : i32 {
      %parallel_loop3A_61 = arith.constant 16 : i32
      %parallel_loop3A_62 = arith.muli %parallel_loop3A_60, %parallel_loop3A_61 : i32
      %parallel_loop3A_63 = arith.index_cast %parallel_loop3A_62 : i32 to index
      %parallel_loop3A_64 = tpu.vector_load %arg7[%parallel_loop3A_63] {strides = array<i32>} : memref<2048xf32, #tpu.memory_space<vmem>>, vector<16xf32>,
      %parallel_loop3A_65 = arith.index_cast %parallel_loop3A_62 : i32 to index
      %parallel_loop3A_66 = tpu.vector_load %arg8[%parallel_loop3A_65] {strides = array<i32>} : memref<2048xf32, #tpu.memory_space<vmem>>, vector<16xf32>,
      %parallel_loop3A_67 = arith.index_cast %parallel_loop3A_62 : i32 to index
      %parallel_loop3A_68 = tpu.vector_load %arg9[%parallel_loop3A_67] {strides = array<i32>} : memref<2048xf32, #tpu.memory_space<vmem>>, vector<16xf32>,
      %parallel_loop3A_69 = arith.index_cast %parallel_loop3A_62 : i32 to index
      %parallel_loop3A_70 = tpu.vector_load %arg10[%parallel_loop3A_69] {strides = array<i32>} : memref<2048xi32, #tpu.memory_space<vmem>>, vector<16xi32>,
      %parallel_loop3A_71 = arith.maximumf %parallel_loop3A_66, %parallel_loop3A_68 : vector<16xf32>
      %parallel_loop3A_72 = arith.maximumf %parallel_loop3A_64, %parallel_loop3A_71 : vector<16xf32>
      %parallel_loop3A_73 = arith.constant 16 : i32
      %parallel_loop3A_74 = vector.broadcast %parallel_loop3A_73 : i32 to vector<16xi32>
      %parallel_loop3A_75 = arith.muli %parallel_loop3A_70, %parallel_loop3A_74 : vector<16xi32>
      %parallel_loop3A_76 = arith.addi %parallel_loop3A_75, %iota3A : vector<16xi32>
      tpu.vector_store_idx %arg13[%parallel_loop3A_76], %broadcast_in_dim3A_17 {add = true} : memref<1280xf32, #tpu.memory_space<vmem>>[vector<16xi32>], vector<16xf32>,
      %parallel_loop3A_77 = arith.constant 256 : i32
      %parallel_loop3A_78 = vector.broadcast %parallel_loop3A_77 : i32 to vector<16xi32>
      %parallel_loop3A_79 = arith.addi %parallel_loop3A_76, %parallel_loop3A_78 : vector<16xi32>
      tpu.vector_store_idx %arg13[%parallel_loop3A_79], %parallel_loop3A_72 {add = true} : memref<1280xf32, #tpu.memory_space<vmem>>[vector<16xi32>], vector<16xf32>,
      %parallel_loop3A_80 = arith.constant 512 : i32
      %parallel_loop3A_81 = vector.broadcast %parallel_loop3A_80 : i32 to vector<16xi32>
      %parallel_loop3A_82 = arith.addi %parallel_loop3A_76, %parallel_loop3A_81 : vector<16xi32>
      tpu.vector_store_idx %arg13[%parallel_loop3A_82], %parallel_loop3A_64 {add = true} : memref<1280xf32, #tpu.memory_space<vmem>>[vector<16xi32>], vector<16xf32>,
      %parallel_loop3A_83 = arith.constant 768 : i32
      %parallel_loop3A_84 = vector.broadcast %parallel_loop3A_83 : i32 to vector<16xi32>
      %parallel_loop3A_85 = arith.addi %parallel_loop3A_76, %parallel_loop3A_84 : vector<16xi32>
      %parallel_loop3A_86 = arith.addf %parallel_loop3A_66, %parallel_loop3A_68 : vector<16xf32>
      tpu.vector_store_idx %arg13[%parallel_loop3A_85], %parallel_loop3A_86 {add = true} : memref<1280xf32, #tpu.memory_space<vmem>>[vector<16xi32>], vector<16xf32>,
      %parallel_loop3A_87 = arith.index_cast %parallel_loop3A_62 : i32 to index
      %parallel_loop3A_88 = tpu.vector_load %arg11[%parallel_loop3A_87] {strides = array<i32>} : memref<2048xi32, #tpu.memory_space<vmem>>, vector<16xi32>,
      %parallel_loop3A_89 = arith.index_cast %parallel_loop3A_62 : i32 to index
      %parallel_loop3A_90 = tpu.vector_load %arg12[%parallel_loop3A_89] {strides = array<i32>} : memref<2048xi32, #tpu.memory_space<vmem>>, vector<16xi32>,
      %parallel_loop3A_91 = arith.constant 16 : i32
      %parallel_loop3A_92 = vector.broadcast %parallel_loop3A_91 : i32 to vector<16xi32>
      %parallel_loop3A_93 = arith.muli %parallel_loop3A_90, %parallel_loop3A_92 : vector<16xi32>
      %parallel_loop3A_94 = arith.addi %parallel_loop3A_93, %iota3A : vector<16xi32>
      %parallel_loop3A_95 = arith.constant 4 : i32
      %parallel_loop3A_96 = vector.broadcast %parallel_loop3A_95 : i32 to vector<16xi32>
      %parallel_loop3A_97 = arith.cmpi eq, %parallel_loop3A_88, %parallel_loop3A_96 : vector<16xi32>
      %parallel_loop3A_98 = arith.constant 1.000000e+00 : f32
      %parallel_loop3A_99 = arith.constant 0.000000e+00 : f32
      %parallel_loop3A_100 = vector.broadcast %parallel_loop3A_98 : f32 to vector<16xf32>
      %parallel_loop3A_101 = vector.broadcast %parallel_loop3A_99 : f32 to vector<16xf32>
      %parallel_loop3A_102 = arith.select %parallel_loop3A_97, %parallel_loop3A_100, %parallel_loop3A_101 : vector<16xi1>, vector<16xf32>
      %parallel_loop3A_103 = arith.constant 1 : i32
      %parallel_loop3A_104 = vector.broadcast %parallel_loop3A_103 : i32 to vector<16xi32>
      %parallel_loop3A_105 = arith.cmpi eq, %parallel_loop3A_88, %parallel_loop3A_104 : vector<16xi32>
      %parallel_loop3A_106 = arith.constant 4.096000e+03 : f32
      %parallel_loop3A_107 = arith.constant 0.000000e+00 : f32
      %parallel_loop3A_108 = vector.broadcast %parallel_loop3A_106 : f32 to vector<16xf32>
      %parallel_loop3A_109 = vector.broadcast %parallel_loop3A_107 : f32 to vector<16xf32>
      %parallel_loop3A_110 = arith.select %parallel_loop3A_105, %parallel_loop3A_108, %parallel_loop3A_109 : vector<16xi1>, vector<16xf32>
      %parallel_loop3A_111 = arith.addf %parallel_loop3A_102, %parallel_loop3A_110 : vector<16xf32>
      %parallel_loop3A_112 = arith.constant 1024 : i32
      %parallel_loop3A_113 = vector.broadcast %parallel_loop3A_112 : i32 to vector<16xi32>
      %parallel_loop3A_114 = arith.addi %parallel_loop3A_94, %parallel_loop3A_113 : vector<16xi32>
      tpu.vector_store_idx %arg13[%parallel_loop3A_114], %parallel_loop3A_111 {add = true} : memref<1280xf32, #tpu.memory_space<vmem>>[vector<16xi32>], vector<16xf32>,
    } {sc.loop_unroll_factor = 4 : i64, sc.parallel_access}
    %parallel_loop3A_34 = arith.constant 0 : i32
    %parallel_loop3A_35 = arith.constant 16 : i32
    %parallel_loop3A_36 = arith.constant 1 : i32
    %parallel_loop3A_37:5 = scf.for %parallel_loop3A_60 = %parallel_loop3A_34 to %parallel_loop3A_35 step %parallel_loop3A_36 iter_args(%parallel_loop3A_61 = %broadcast_in_dim3A_15, %parallel_loop3A_62 = %broadcast_in_dim3A_15, %parallel_loop3A_63 = %broadcast_in_dim3A_15, %parallel_loop3A_64 = %broadcast_in_dim3A_15, %parallel_loop3A_65 = %broadcast_in_dim3A_15) -> (vector<16xf32>, vector<16xf32>, vector<16xf32>, vector<16xf32>, vector<16xf32>)  : i32 {
      %parallel_loop3A_66 = vector.broadcast %parallel_loop3A_60 : i32 to vector<16xi32>
      %parallel_loop3A_67 = arith.addi %iota3A, %parallel_loop3A_66 : vector<16xi32>
      %parallel_loop3A_68 = arith.constant 15 : i32
      %parallel_loop3A_69 = vector.broadcast %parallel_loop3A_68 : i32 to vector<16xi32>
      %parallel_loop3A_70 = arith.andi %parallel_loop3A_67, %parallel_loop3A_69 : vector<16xi32>
      %parallel_loop3A_71 = arith.constant 16 : i32
      %parallel_loop3A_72 = vector.broadcast %parallel_loop3A_71 : i32 to vector<16xi32>
      %parallel_loop3A_73 = arith.muli %iota3A, %parallel_loop3A_72 : vector<16xi32>
      %parallel_loop3A_74 = arith.constant 0 : i32
      %parallel_loop3A_75 = vector.broadcast %parallel_loop3A_74 : i32 to vector<16xi32>
      %parallel_loop3A_76 = arith.addi %parallel_loop3A_75, %parallel_loop3A_73 : vector<16xi32>
      %parallel_loop3A_77 = arith.addi %parallel_loop3A_76, %parallel_loop3A_70 : vector<16xi32>
      %parallel_loop3A_78 = tpu.vector_load_idx %arg13[%parallel_loop3A_77] : memref<1280xf32, #tpu.memory_space<vmem>>[vector<16xi32>], vector<16xf32>,
      %parallel_loop3A_79 = arith.addf %parallel_loop3A_61, %parallel_loop3A_78 : vector<16xf32>
      %parallel_loop3A_80 = arith.constant 16 : i32
      %parallel_loop3A_81 = vector.broadcast %parallel_loop3A_80 : i32 to vector<16xi32>
      %parallel_loop3A_82 = arith.muli %iota3A, %parallel_loop3A_81 : vector<16xi32>
      %parallel_loop3A_83 = arith.constant 256 : i32
      %parallel_loop3A_84 = vector.broadcast %parallel_loop3A_83 : i32 to vector<16xi32>
      %parallel_loop3A_85 = arith.addi %parallel_loop3A_84, %parallel_loop3A_82 : vector<16xi32>
      %parallel_loop3A_86 = arith.addi %parallel_loop3A_85, %parallel_loop3A_70 : vector<16xi32>
      %parallel_loop3A_87 = tpu.vector_load_idx %arg13[%parallel_loop3A_86] : memref<1280xf32, #tpu.memory_space<vmem>>[vector<16xi32>], vector<16xf32>,
      %parallel_loop3A_88 = arith.addf %parallel_loop3A_62, %parallel_loop3A_87 : vector<16xf32>
      %parallel_loop3A_89 = arith.constant 16 : i32
      %parallel_loop3A_90 = vector.broadcast %parallel_loop3A_89 : i32 to vector<16xi32>
      %parallel_loop3A_91 = arith.muli %iota3A, %parallel_loop3A_90 : vector<16xi32>
      %parallel_loop3A_92 = arith.constant 512 : i32
      %parallel_loop3A_93 = vector.broadcast %parallel_loop3A_92 : i32 to vector<16xi32>
      %parallel_loop3A_94 = arith.addi %parallel_loop3A_93, %parallel_loop3A_91 : vector<16xi32>
      %parallel_loop3A_95 = arith.addi %parallel_loop3A_94, %parallel_loop3A_70 : vector<16xi32>
      %parallel_loop3A_96 = tpu.vector_load_idx %arg13[%parallel_loop3A_95] : memref<1280xf32, #tpu.memory_space<vmem>>[vector<16xi32>], vector<16xf32>,
      %parallel_loop3A_97 = arith.addf %parallel_loop3A_63, %parallel_loop3A_96 : vector<16xf32>
      %parallel_loop3A_98 = arith.constant 16 : i32
      %parallel_loop3A_99 = vector.broadcast %parallel_loop3A_98 : i32 to vector<16xi32>
      %parallel_loop3A_100 = arith.muli %iota3A, %parallel_loop3A_99 : vector<16xi32>
      %parallel_loop3A_101 = arith.constant 768 : i32
      %parallel_loop3A_102 = vector.broadcast %parallel_loop3A_101 : i32 to vector<16xi32>
      %parallel_loop3A_103 = arith.addi %parallel_loop3A_102, %parallel_loop3A_100 : vector<16xi32>
      %parallel_loop3A_104 = arith.addi %parallel_loop3A_103, %parallel_loop3A_70 : vector<16xi32>
      %parallel_loop3A_105 = tpu.vector_load_idx %arg13[%parallel_loop3A_104] : memref<1280xf32, #tpu.memory_space<vmem>>[vector<16xi32>], vector<16xf32>,
      %parallel_loop3A_106 = arith.addf %parallel_loop3A_64, %parallel_loop3A_105 : vector<16xf32>
      %parallel_loop3A_107 = arith.constant 16 : i32
      %parallel_loop3A_108 = vector.broadcast %parallel_loop3A_107 : i32 to vector<16xi32>
      %parallel_loop3A_109 = arith.muli %iota3A, %parallel_loop3A_108 : vector<16xi32>
      %parallel_loop3A_110 = arith.constant 1024 : i32
      %parallel_loop3A_111 = vector.broadcast %parallel_loop3A_110 : i32 to vector<16xi32>
      %parallel_loop3A_112 = arith.addi %parallel_loop3A_111, %parallel_loop3A_109 : vector<16xi32>
      %parallel_loop3A_113 = arith.addi %parallel_loop3A_112, %parallel_loop3A_70 : vector<16xi32>
      %parallel_loop3A_114 = tpu.vector_load_idx %arg13[%parallel_loop3A_113] : memref<1280xf32, #tpu.memory_space<vmem>>[vector<16xi32>], vector<16xf32>,
      %parallel_loop3A_115 = arith.addf %parallel_loop3A_65, %parallel_loop3A_114 : vector<16xf32>
      scf.yield %parallel_loop3A_79, %parallel_loop3A_88, %parallel_loop3A_97, %parallel_loop3A_106, %parallel_loop3A_115 : vector<16xf32>, vector<16xf32>, vector<16xf32>, vector<16xf32>, vector<16xf32>
    } {sc.loop_unroll_factor = 4 : i64, sc.parallel_access}
    %swap3A = arith.constant 0 : index
    %swap3A_38 = tpu.vector_load %arg14[%swap3A] {strides = array<i32>} : memref<96xf32, #tpu.memory_space<vmem>>, vector<16xf32>,
    tpu.vector_store %arg14[%swap3A], %parallel_loop3A_37#0 {strides = array<i32>} : memref<96xf32, #tpu.memory_space<vmem>>, vector<16xf32>,
    %swap3A_39 = arith.constant 16 : index
    %swap3A_40 = tpu.vector_load %arg14[%swap3A_39] {strides = array<i32>} : memref<96xf32, #tpu.memory_space<vmem>>, vector<16xf32>,
    tpu.vector_store %arg14[%swap3A_39], %parallel_loop3A_37#1 {strides = array<i32>} : memref<96xf32, #tpu.memory_space<vmem>>, vector<16xf32>,
    %swap3A_41 = arith.constant 32 : index
    %swap3A_42 = tpu.vector_load %arg14[%swap3A_41] {strides = array<i32>} : memref<96xf32, #tpu.memory_space<vmem>>, vector<16xf32>,
    tpu.vector_store %arg14[%swap3A_41], %parallel_loop3A_37#2 {strides = array<i32>} : memref<96xf32, #tpu.memory_space<vmem>>, vector<16xf32>,
    %swap3A_43 = arith.constant 48 : index
    %swap3A_44 = tpu.vector_load %arg14[%swap3A_43] {strides = array<i32>} : memref<96xf32, #tpu.memory_space<vmem>>, vector<16xf32>,
    tpu.vector_store %arg14[%swap3A_43], %parallel_loop3A_37#3 {strides = array<i32>} : memref<96xf32, #tpu.memory_space<vmem>>, vector<16xf32>,
    %convert_element_type3A = arith.fptosi %parallel_loop3A_37#4 : vector<16xf32> to vector<16xi32>
    %and3A = arith.constant 4095 : i32
    %and3A_45 = vector.broadcast %and3A : i32 to vector<16xi32>
    %and3A_46 = arith.andi %convert_element_type3A, %and3A_45 : vector<16xi32>
    %convert_element_type3A_47 = arith.sitofp %and3A_46 : vector<16xi32> to vector<16xf32>
    %swap3A_48 = arith.constant 64 : index
    %swap3A_49 = tpu.vector_load %arg14[%swap3A_48] {strides = array<i32>} : memref<96xf32, #tpu.memory_space<vmem>>, vector<16xf32>,
    tpu.vector_store %arg14[%swap3A_48], %convert_element_type3A_47 {strides = array<i32>} : memref<96xf32, #tpu.memory_space<vmem>>, vector<16xf32>,
    %shift_right_arithmetic3A = arith.constant 12 : i32
    %shift_right_arithmetic3A_50 = vector.broadcast %shift_right_arithmetic3A : i32 to vector<16xi32>
    %shift_right_arithmetic3A_51 = arith.shrsi %convert_element_type3A, %shift_right_arithmetic3A_50 : vector<16xi32>
    %convert_element_type3A_52 = arith.sitofp %shift_right_arithmetic3A_51 : vector<16xi32> to vector<16xf32>
    %swap3A_53 = arith.constant 80 : index
    %swap3A_54 = tpu.vector_load %arg14[%swap3A_53] {strides = array<i32>} : memref<96xf32, #tpu.memory_space<vmem>>, vector<16xf32>,
    tpu.vector_store %arg14[%swap3A_53], %convert_element_type3A_52 {strides = array<i32>} : memref<96xf32, #tpu.memory_space<vmem>>, vector<16xf32>,
    %mul3A_55 = arith.constant 96 : i32
    %mul3A_56 = arith.muli %arg1, %mul3A_55 : i32
    "tpu.region"() ({
      %run_scoped3A = tpu.sem_alloc : memref<!tpu.dma_semaphore, #tpu.memory_space<semaphore_mem>>
      %dma_start3A_60 = tpu.memref_slice %arg17[%mul3A_56] : memref<1536xf32, #tpu.memory_space<vmem_shared>> -> memref<96xf32, #tpu.memory_space<vmem_shared>>
      %dma_start3A_61 = tpu.memref_slice %arg17[%mul3A_56] : memref<1536xf32, #tpu.memory_space<vmem_shared>> -> memref<96xf32, #tpu.memory_space<vmem_shared>>
      tpu.enqueue_dma source(%arg14 : memref<96xf32, #tpu.memory_space<vmem>>) target(%dma_start3A_61 : memref<96xf32, #tpu.memory_space<vmem_shared>>) target_semaphore(%run_scoped3A : memref<!tpu.dma_semaphore, #tpu.memory_space<semaphore_mem>>)
      %dma_wait3A_62 = tpu.memref_slice %arg17[%mul3A_56] : memref<1536xf32, #tpu.memory_space<vmem_shared>> -> memref<96xf32, #tpu.memory_space<vmem_shared>>
      %dma_wait3A_63 = tpu.memref_slice %arg17[%mul3A_56] : memref<1536xf32, #tpu.memory_space<vmem_shared>> -> memref<96xf32, #tpu.memory_space<vmem_shared>>
      tpu.wait_dma2 semaphore(%run_scoped3A : memref<!tpu.dma_semaphore, #tpu.memory_space<semaphore_mem>>) src(%arg14 : memref<96xf32, #tpu.memory_space<vmem>>) dst(%dma_wait3A_63 : memref<96xf32, #tpu.memory_space<vmem_shared>>)
      tpu.yield
    }) : () -> ()
    %barrier3A = arith.constant 0 : index
    tpu.barrier barrier_id(%barrier3A)
    %eq3A = arith.constant 0 : i32
    %eq3A_57 = arith.cmpi eq, %arg1, %eq3A : i32
    %convert_element_type3A_58 = arith.extui %eq3A_57 : i1 to i32
    %cond3A = arith.constant 0 : i32
    %cond3A_59 = arith.cmpi ne, %convert_element_type3A_58, %cond3A : i32
    scf.if %cond3A_59 {
      "tpu.region"() ({
        %run_scoped3A = tpu.sem_alloc : memref<!tpu.dma_semaphore, #tpu.memory_space<semaphore_mem>>
        tpu.enqueue_dma source(%arg17 : memref<1536xf32, #tpu.memory_space<vmem_shared>>) target(%arg15 : memref<1536xf32, #tpu.memory_space<vmem>>) target_semaphore(%run_scoped3A : memref<!tpu.dma_semaphore, #tpu.memory_space<semaphore_mem>>)
        tpu.wait_dma2 semaphore(%run_scoped3A : memref<!tpu.dma_semaphore, #tpu.memory_space<semaphore_mem>>) src(%arg17 : memref<1536xf32, #tpu.memory_space<vmem_shared>>) dst(%arg15 : memref<1536xf32, #tpu.memory_space<vmem>>)
        tpu.yield
      }) : () -> ()
      %scan3A = arith.constant 0 : i32
      %scan3A_60 = arith.constant 16 : i32
      %scan3A_61 = arith.addi %scan3A, %scan3A_60 : i32
      %scan3A_62 = arith.constant 1 : i32
      %scan3A_63:6 = scf.for %scan3A_106 = %scan3A to %scan3A_61 step %scan3A_62 iter_args(%scan3A_107 = %broadcast_in_dim3A_15, %scan3A_108 = %broadcast_in_dim3A_15, %scan3A_109 = %broadcast_in_dim3A_15, %scan3A_110 = %broadcast_in_dim3A_15, %scan3A_111 = %broadcast_in_dim3A_15, %scan3A_112 = %broadcast_in_dim3A_15) -> (vector<16xf32>, vector<16xf32>, vector<16xf32>, vector<16xf32>, vector<16xf32>, vector<16xf32>)  : i32 {
        %mul3A_113 = arith.constant 96 : i32
        %mul3A_114 = arith.muli %scan3A_106, %mul3A_113 : i32
        %add3A_115 = arith.constant 0 : i32
        %add3A_116 = arith.addi %mul3A_114, %add3A_115 : i32
        %get3A = arith.index_cast %add3A_116 : i32 to index
        %get3A_117 = tpu.vector_load %arg15[%get3A] {strides = array<i32>} : memref<1536xf32, #tpu.memory_space<vmem>>, vector<16xf32>,
        %add3A_118 = arith.addf %scan3A_107, %get3A_117 : vector<16xf32>
        %add3A_119 = arith.constant 16 : i32
        %add3A_120 = arith.addi %mul3A_114, %add3A_119 : i32
        %get3A_121 = arith.index_cast %add3A_120 : i32 to index
        %get3A_122 = tpu.vector_load %arg15[%get3A_121] {strides = array<i32>} : memref<1536xf32, #tpu.memory_space<vmem>>, vector<16xf32>,
        %add3A_123 = arith.addf %scan3A_108, %get3A_122 : vector<16xf32>
        %add3A_124 = arith.constant 32 : i32
        %add3A_125 = arith.addi %mul3A_114, %add3A_124 : i32
        %get3A_126 = arith.index_cast %add3A_125 : i32 to index
        %get3A_127 = tpu.vector_load %arg15[%get3A_126] {strides = array<i32>} : memref<1536xf32, #tpu.memory_space<vmem>>, vector<16xf32>,
        %add3A_128 = arith.addf %scan3A_109, %get3A_127 : vector<16xf32>
        %add3A_129 = arith.constant 48 : i32
        %add3A_130 = arith.addi %mul3A_114, %add3A_129 : i32
        %get3A_131 = arith.index_cast %add3A_130 : i32 to index
        %get3A_132 = tpu.vector_load %arg15[%get3A_131] {strides = array<i32>} : memref<1536xf32, #tpu.memory_space<vmem>>, vector<16xf32>,
        %add3A_133 = arith.addf %scan3A_110, %get3A_132 : vector<16xf32>
        %add3A_134 = arith.constant 64 : i32
        %add3A_135 = arith.addi %mul3A_114, %add3A_134 : i32
        %get3A_136 = arith.index_cast %add3A_135 : i32 to index
        %get3A_137 = tpu.vector_load %arg15[%get3A_136] {strides = array<i32>} : memref<1536xf32, #tpu.memory_space<vmem>>, vector<16xf32>,
        %add3A_138 = arith.addf %scan3A_111, %get3A_137 : vector<16xf32>
        %add3A_139 = arith.constant 80 : i32
        %add3A_140 = arith.addi %mul3A_114, %add3A_139 : i32
        %get3A_141 = arith.index_cast %add3A_140 : i32 to index
        %get3A_142 = tpu.vector_load %arg15[%get3A_141] {strides = array<i32>} : memref<1536xf32, #tpu.memory_space<vmem>>, vector<16xf32>,
        %add3A_143 = arith.addf %scan3A_112, %get3A_142 : vector<16xf32>
        scf.yield %add3A_118, %add3A_123, %add3A_128, %add3A_133, %add3A_138, %add3A_143 : vector<16xf32>, vector<16xf32>, vector<16xf32>, vector<16xf32>, vector<16xf32>, vector<16xf32>
      }
      %scan3A_64 = arith.constant 16 : i32
      %div3A = arith.divf %scan3A_63#1, %scan3A_63#0 : vector<16xf32>
      %lt3A = arith.constant 6.000000e+00 : f32
      %lt3A_65 = vector.broadcast %lt3A : f32 to vector<16xf32>
      %lt3A_66 = arith.cmpf olt, %scan3A_63#0, %lt3A_65 : vector<16xf32>
      %jit3A = arith.constant 0.000000e+00 : f32
      %broadcast_in_dim3A_67 = vector.broadcast %jit3A : f32 to vector<16xf32>
      %select_n3A = arith.select %lt3A_66, %scan3A_63#4, %broadcast_in_dim3A_67 : vector<16xi1>, vector<16xf32>
      %jit3A_68 = arith.constant 0.000000e+00 : f32
      %broadcast_in_dim3A_69 = vector.broadcast %jit3A_68 : f32 to vector<16xf32>
      %select_n3A_70 = arith.select %lt3A_66, %scan3A_63#5, %broadcast_in_dim3A_69 : vector<16xi1>, vector<16xf32>
      %mul3A_71 = arith.mulf %select_n3A_70, %div3A : vector<16xf32>
      %add3A_72 = arith.addf %scan3A_63#2, %mul3A_71 : vector<16xf32>
      %mul3A_73 = arith.constant 5.000000e+00 : f32
      %mul3A_74 = vector.broadcast %mul3A_73 : f32 to vector<16xf32>
      %mul3A_75 = arith.mulf %mul3A_74, %div3A : vector<16xf32>
      %sub3A = arith.subf %add3A_72, %mul3A_75 : vector<16xf32>
      %mul3A_76 = arith.mulf %select_n3A, %div3A : vector<16xf32>
      %add3A_77 = arith.addf %scan3A_63#3, %mul3A_76 : vector<16xf32>
      %sub3A_78 = arith.subf %add3A_77, %div3A : vector<16xf32>
      %neg3A = arith.constant 0.000000e+00 : f32
      %neg3A_79 = vector.broadcast %neg3A : f32 to vector<16xf32>
      %neg3A_80 = arith.subf %neg3A_79, %sub3A : vector<16xf32>
      %exp3A = math.exp %neg3A_80 : vector<16xf32>
      %add3A_81 = arith.constant 1.000000e+00 : f32
      %add3A_82 = vector.broadcast %add3A_81 : f32 to vector<16xf32>
      %add3A_83 = arith.addf %add3A_82, %exp3A : vector<16xf32>
      %div3A_84 = arith.constant 1.000000e+00 : f32
      %div3A_85 = vector.broadcast %div3A_84 : f32 to vector<16xf32>
      %div3A_86 = arith.divf %div3A_85, %add3A_83 : vector<16xf32>
      %neg3A_87 = arith.constant 0.000000e+00 : f32
      %neg3A_88 = vector.broadcast %neg3A_87 : f32 to vector<16xf32>
      %neg3A_89 = arith.subf %neg3A_88, %sub3A_78 : vector<16xf32>
      %exp3A_90 = math.exp %neg3A_89 : vector<16xf32>
      %add3A_91 = arith.constant 1.000000e+00 : f32
      %add3A_92 = vector.broadcast %add3A_91 : f32 to vector<16xf32>
      %add3A_93 = arith.addf %add3A_92, %exp3A_90 : vector<16xf32>
      %div3A_94 = arith.constant 1.000000e+00 : f32
      %div3A_95 = vector.broadcast %div3A_94 : f32 to vector<16xf32>
      %div3A_96 = arith.divf %div3A_95, %add3A_93 : vector<16xf32>
      %mul3A_97 = arith.constant 2 : i32
      %mul3A_98 = vector.broadcast %mul3A_97 : i32 to vector<16xi32>
      %mul3A_99 = arith.muli %iota3A, %mul3A_98 : vector<16xi32>
      tpu.vector_store_idx %arg16[%mul3A_99], %div3A_86 : memref<32xf32, #tpu.memory_space<vmem>>[vector<16xi32>], vector<16xf32>,
      %mul3A_100 = arith.constant 2 : i32
      %mul3A_101 = vector.broadcast %mul3A_100 : i32 to vector<16xi32>
      %mul3A_102 = arith.muli %iota3A, %mul3A_101 : vector<16xi32>
      %add3A_103 = arith.constant 1 : i32
      %add3A_104 = vector.broadcast %add3A_103 : i32 to vector<16xi32>
      %add3A_105 = arith.addi %mul3A_102, %add3A_104 : vector<16xi32>
      tpu.vector_store_idx %arg16[%add3A_105], %div3A_96 : memref<32xf32, #tpu.memory_space<vmem>>[vector<16xi32>], vector<16xf32>,
      "tpu.region"() ({
        %run_scoped3A = tpu.sem_alloc : memref<!tpu.dma_semaphore, #tpu.memory_space<semaphore_mem>>
        tpu.enqueue_dma source(%arg16 : memref<32xf32, #tpu.memory_space<vmem>>) target(%arg6 : memref<32xf32, #tpu.memory_space<hbm>>) target_semaphore(%run_scoped3A : memref<!tpu.dma_semaphore, #tpu.memory_space<semaphore_mem>>)
        tpu.wait_dma2 semaphore(%run_scoped3A : memref<!tpu.dma_semaphore, #tpu.memory_space<semaphore_mem>>) src(%arg16 : memref<32xf32, #tpu.memory_space<vmem>>) dst(%arg6 : memref<32xf32, #tpu.memory_space<hbm>>)
        tpu.yield
      }) : () -> ()
    } else {
    }
    return
  }
}

</mosaic_0001>

<sc_bundles>
// kernel: _run.3.cloned.1.call-start
scs
__scs_entry_jumppad:
0x0: {  	(pc) =	sbr.rel $0x88, $3  }
0x1: {  	(tag) =	ssettag $0x0;
	lr =	simm.s32 $0x1  }
0x2: {  	[smem:$0x3F9D] =	sst lr;
	_ =	strace $0xD0000000  }
0x3: {  	_ = 	snop  }
0x4: {  	_ = 	snop  }
0x5: {  	_ = 	snop  }
0x6: {  	_ = 	snop  }
0x7: {  	_ = 	snop  }
__scs_overlays_trampoline_lowered:
0x8: {  	[smem:$0x3FAC] =	sst s0  }
0x9: {  	[smem:$0x3FAD] =	sst s1  }
0xa: {  	[smem:$0x3FAE] =	sst s2  }
0xb: {  	[smem:$0x3FAF] =	sst s3  }
0xc: {  	[smem:$0x3FB0] =	sst s4  }
0xd: {  	[smem:$0x3FB1] =	sst s5  }
0xe: {  	[smem:$0x3FB2] =	sst s6  }
0xf: {  	[smem:$0x3FB3] =	sst s7  }
0x10: {  	[smem:$0x3FB4] =	sst s8  }
0x11: {  	[smem:$0x3FB5] =	sst s9;
	s0 =	simm.s32 @!p0 $0x0  }
0x12: {  	s1 =	sld [smem:$0x3F9B];
	s0 =	simm.s32 @p0 $0x1  }
0x13: {  	[smem:$0x3FB6] =	sst s0;
	s0 =	simm.s32 @!p1 $0x0  }
0x14: {  	s2 =	sld [smem:$0x3F9A];
	s0 =	simm.s32 @p1 $0x1  }
0x15: {  	[smem:$0x3FB7] =	sst s0;
	s0 =	simm.s32 @!p2 $0x0  }
0x16: {  	s3 =	sld [smem:$0x3FDB];
	s0 =	simm.s32 @p2 $0x1  }
0x17: {  	s4 =	simm.s32 $0x1BF5;
	[smem:$0x3FB9] =	sst s0  }
0x18: {  	s0 =	sld [smem:$0x3F9C];
	_ =	swait.ge [sflag:s4], $0x0  }
0x19: {  	s7 =	sld [smem:$0x3F9D]  }
0x1a: {  	s8 =	sadd.s32 $0xFFFFE003, lr  }
0x1b: {  	s9 =	sadd.s32 $0xFFFFFEF7, lr;
	s5 =	simm.s32 $0xFFFFFFFF;
	p2 =	slt.u32 s8, $0xFFFFF086  }
0x1c: {  	p1 =	slt.u32 s9, $0xF7A;
	s5 =	simm.s32 @!p2 $0x0  }
0x1d: {  	s5 =	simm.s32 @p1 $0x1;
	p0 =	seq.s32 s7, s2  }
0x1e: {  	s7 =	smul.u32 @!p0 $0xF7A, s2;
	p2 =	seq.s32 @!p0 s5, $0x0  }
0x1f: {  	s9 =	smul.u32 $0xF7A, s1;
	s8 =	simm.s32 @!p0 $0x1BF5;
	p2 =	por !p2, p0  }
0x20: {  	[sflag:s8] =	ssyncset.s32 @!p0 $0xFFFFF086;
	s6 =	sadd.s32 @!p0 s3, s7;
	s7 =	simm.s32 @!p0 $0x108  }
0x21: {  	s3 =	sadd.s32 s3, s9;
	s6 =	sadd.s32 @!p0 $0x88, s6;
	s7 =	simm.s32 @p2 $0x1082  }
0x22: {  	[simem:s7], [sflag:s8] =	dma.local @!p0 [hbm:s6], $0xF7A  }
0x23: {  	s9 =	sor.u32 $0xD0000000, s2;
	s6 =	simm.s32 $0x108;
	_ =	swait.ge @!p0 [sflag:s8], $0x0  }
0x24: {  	s3 =	sadd.s32 $0x88, s3;
	s6 =	simm.s32 @!p1 $0x1082;
	[sflag:s4] =	ssyncset.s32 $0xFFFFF086  }
0x25: {  	[simem:s6], [sflag:s4] =	dma.local [hbm:s3], $0xF7A  }
0x26: {  	[smem:$0x3F9D] =	sst s1;
	(tag) =	ssettag s2;
	_ =	strace s9  }
0x27: {  	s1 =	sld [smem:$0x3FAD]  }
0x28: {  	s2 =	sld [smem:$0x3FAE]  }
0x29: {  	s4 =	sld [smem:$0x3FB0]  }
0x2a: {  	p0 =	seq.s32 s5, $0x0;
	s5 =	sld [smem:$0x3FB1]  }
0x2b: {  	s6 =	sld [smem:$0x3FB2]  }
0x2c: {  	s7 =	sld [smem:$0x3FB3]  }
0x2d: {  	s3 =	simm.s32 $0x108;
	s8 =	sld [smem:$0x3FB4]  }
0x2e: {  	s3 =	simm.s32 @!p0 $0x1082;
	s9 =	sld [smem:$0x3FB5]  }
0x2f: {  	lr =	sadd.s32 s0, s3;
	s0 =	sld [smem:$0x3FAC]  }
0x30: {  	s3 =	sld [smem:$0x3FAF]  }
0x31: {  	[smem:$0x3FB8] =	sst s10  }
0x32: {  	s10 =	sld [smem:$0x3FB6];
	_ =	sdelay $0x3  }
0x33: {  	p0 =	seq.s32 s10, $0x1;
	s10 =	sld [smem:$0x3FB8];
	_ =	sdelay $0x3  }
0x34: {  	[smem:$0x3FB8] =	sst s10  }
0x35: {  	s10 =	sld [smem:$0x3FB7];
	_ =	sdelay $0x3  }
0x36: {  	p1 =	seq.s32 s10, $0x1;
	s10 =	sld [smem:$0x3FB8];
	_ =	sdelay $0x3  }
0x37: {  	[smem:$0x3FB8] =	sst s10  }
0x38: {  	s10 =	sld [smem:$0x3FB9]  }
0x39: {  	_ = 	snop;
	(pc) =	sbr.ind lr, $3  }
0x3a: {  	_ = 	snop  }
0x3b: {  	_ = 	snop  }
0x3c: {  	p2 =	seq.s32 s10, $0x1;
	s10 =	sld [smem:$0x3FB8]  }
0x3d: {  	_ =	shalt  }
0x3e: {  	_ =	shalt  }
0x3f: {  	_ =	shalt  }
0x40: {  	_ =	shalt  }
0x41: {  	_ =	shalt  }
0x42: {  	_ =	shalt  }
0x43: {  	_ =	shalt  }
0x44: {  	_ =	shalt  }
0x45: {  	_ =	shalt  }
0x46: {  	_ =	shalt  }
0x47: {  	_ =	shalt  }
0x48: {  	_ =	shalt  }
0x49: {  	_ =	shalt  }
0x4a: {  	_ =	shalt  }
0x4b: {  	_ =	shalt  }
0x4c: {  	_ =	shalt  }
0x4d: {  	_ =	shalt  }
0x4e: {  	_ =	shalt  }
0x4f: {  	_ =	shalt  }
0x50: {  	_ =	shalt  }
0x51: {  	_ =	shalt  }
0x52: {  	_ =	shalt  }
0x53: {  	_ =	shalt  }
0x54: {  	_ =	shalt  }
0x55: {  	_ =	shalt  }
0x56: {  	_ =	shalt  }
0x57: {  	_ =	shalt  }
0x58: {  	_ =	shalt  }
0x59: {  	_ =	shalt  }
0x5a: {  	_ =	shalt  }
0x5b: {  	_ =	shalt  }
0x5c: {  	_ =	shalt  }
0x5d: {  	_ =	shalt  }
0x5e: {  	_ =	shalt  }
0x5f: {  	_ =	shalt  }
0x60: {  	_ =	shalt  }
0x61: {  	_ =	shalt  }
0x62: {  	_ =	shalt  }
0x63: {  	_ =	shalt  }
0x64: {  	_ =	shalt  }
0x65: {  	_ =	shalt  }
0x66: {  	_ =	shalt  }
0x67: {  	_ =	shalt  }
0x68: {  	_ =	shalt  }
0x69: {  	_ =	shalt  }
0x6a: {  	_ =	shalt  }
0x6b: {  	_ =	shalt  }
0x6c: {  	_ =	shalt  }
0x6d: {  	_ =	shalt  }
0x6e: {  	_ =	shalt  }
0x6f: {  	_ =	shalt  }
0x70: {  	_ =	shalt  }
0x71: {  	_ =	shalt  }
0x72: {  	_ =	shalt  }
0x73: {  	_ =	shalt  }
0x74: {  	_ =	shalt  }
0x75: {  	_ =	shalt  }
0x76: {  	_ =	shalt  }
0x77: {  	_ =	shalt  }
0x78: {  	_ =	shalt  }
0x79: {  	_ =	shalt  }
0x7a: {  	_ =	shalt  }
0x7b: {  	_ =	shalt  }
0x7c: {  	_ =	shalt  }
0x7d: {  	_ =	shalt  }
0x7e: {  	_ =	shalt  }
0x7f: {  	_ =	shalt  }
0x80: {  	_ =	shalt  }
0x81: {  	_ =	shalt  }
0x82: {  	_ =	shalt  }
0x83: {  	_ =	shalt  }
0x84: {  	_ =	shalt  }
0x85: {  	_ =	shalt  }
0x86: {  	_ =	shalt  }
0x87: {  	_ =	shalt  }
.Lfunc_end0:
.L_simem_size_0:
called_computation_lowered:
.L_overlay_start_0:
0x88: {  	s0 =	sld [smem:$0x3FD9]  }
0x89: {  	s1 =	sld [smem:$0x3FFE];
	_ =	sdelay $0x3  }
0x8a: {  	s0 =	sadd.s32 s1, s0  }
0x8b: {  	[smem:$0x3FC4] =	sst s0  }
0x8c: {  	_ = 	snop  }
0x8d: {  	s0 =	sld [smem:$0x3FC9]  }
0x8e: {  	s17 =	sld [smem:$0x3FC8]  }
0x8f: {  	s2 =	sld [smem:$0x3FC7]  }
0x90: {  	s3 =	sld [smem:$0x3FC6]  }
0x91: {  	s4 =	sld [smem:$0x3FD0];
	(tm) =	ssettm $0x1  }
0x92: {  	s5 =	sld [smem:$0x3FFB];
	_ =	sdelay $0x3  }
0x93: {  	_ =	strace s5  }
0x94: {  	s5 =	sld [smem:$0x3FFC];
	_ =	sdelay $0x3  }
0x95: {  	_ =	strace s5  }
0x96: {  	s5 =	sld [smem:$0x3FFD];
	_ =	sdelay $0x3  }
0x97: {  	_ =	strace s5  }
0x98: {  	_ =	strace $0x8FFFFFFF  }
0x99: {  	s18 =	sld [smem:$0x3FDB];
	_ =	sdelay $0x1  }
0x9a: {  	s6 =	simm.s32 $_scs_section_size  }
0x9b: {  	s7 =	simm.s32 $_size__tile_overlayer_lowered;
	s8 =	simm.s32 $_tile_overlayer_lowered  }
0x9c: {  	s21 =	simm.s32 $0x1BFF;
	s20 =	sshll.u32 s8, $0x1;
	s5 =	sadd.s32 s6, s18  }
0x9d: {  	s9 =	simm.s32 $0x0;
	s19 =	sshll.u32 s7, $0x1;
	s7 =	sadd.s32 s20, s5  }
0x9e: {  	[timem:s9], [sflag:s21] =	dma.local [hbm:s7], s19  }
0x9f: {  	_ =	swait.ge [sflag:s21], s19  }
0xa0: {  	s6 =	ssub.s32 $0x0, s19;
	[sflag:s21] =	ssyncset.done $0x0  }
0xa1: {  	[sflag:s21] =	ssyncadd.s32 s6;
	_ =	sdelay $0x1  }
0xa2: {  	s22 =	simm.s32 $0x1B8B  }
0xa3: {  	_ =	swait.ge [sflag:s22], $0x1  }
0xa4: {  	[sflag:s22] =	ssyncset.done $0x0  }
0xa5: {  	s23 =	simm.s32 $0x1B8E;
	[sflag:s22] =	ssyncadd.s32 $0xFFFFFFFF  }
0xa6: {  	s24 =	simm.s32 $execute0_lowered;
	[smem:$0x3FD2] =	sst s23  }
0xa7: {  	s6 =	sshll.u32 s24, $0x1;
	_ =	strace $0x80000046;
	[dreg:$0x1] =	wrdreg $0xFFFFFFFF  }
0xa8: {  	s25 =	simm.s32 $_size_execute0_lowered;
	s5 =	sadd.s32 s5, s6;
	[dreg:$0x0] =	wrdreg $0x0  }
0xa9: {  	s6 =	sshll.u32 s25, $0x1;
	[dreg:$0x2] =	wrdreg s5  }
0xaa: {  	[dreg:$0x3] =	wrdreg s6  }
0xab: {  	[dreg:$0x4] =	wrdreg $0xC0  }
0xac: {  	_ =	task [dreg:s9], $0x5FFFF  }
0xad: {  	[dreg:$0x1] =	wrdreg $0xFFFFFFFF  }
0xae: {  	[dreg:$0x0] =	wrdreg $0x60  }
0xaf: {  	[dreg:$0x2] =	wrdreg s0  }
0xb0: {  	[dreg:$0x3] =	wrdreg s17  }
0xb1: {  	[dreg:$0x4] =	wrdreg s2  }
0xb2: {  	[dreg:$0x5] =	wrdreg s3  }
0xb3: {  	[dreg:$0x6] =	wrdreg s4  }
0xb4: {  	[dreg:$0x7] =	wrdreg $0x3B800  }
0xb5: {  	[dreg:$0x8] =	wrdreg $0x9  }
0xb6: {  	_ =	task.clear_ibuf [dreg:s9], $0x9FFFF;
	_ =	strace $0x90000046  }
0xb7: {  	s26 =	simm.s32 $0x9;
	_ =	strace $0x80000048  }
0xb8: {  	_ =	swait.ge [sflag:s26], $0x1  }
0xb9: {  	[sflag:s26] =	ssyncadd.s32 $0xFFFFFFFF  }
0xba: {  	_ =	strace $0x90000048  }
0xbb: {  	_ =	sfence  }
0xbc: {  	s28 =	sld [smem:$0x0];
	_ =	sdelay $0x1  }
0xbd: {  	s29 =	srdreg.scid  }
0xbe: {  	s30 =	sshll.u32 s29, $0xD;
	s31 =	sshrl.u32 s29, $0x2  }
0xbf: {  	s1 =	sand.u32 $0x1, s29;
	s2 =	sand.u32 $0x4000, s30;
	s0 =	sadd.s32 s31, s28  }
0xc0: {  	s1 =	sor.u32 s2, s1;
	s0 =	sshll.u32 s0, $0x11  }
0xc1: {  	s0 =	sor.u32 s0, s1  }
0xc2: {  	s0 =	sadd.s32 $0x8F2B, s0  }
0xc3: {  	[sflag:s0] =	ssyncadd.remote.s32 $0x1  }
0xc4: {  	_ =	sfence.sel $0xFFFF  }
0xc5: {  	[dreg:$0x0] =	wrdreg $0xFFFFFFFF;
	(pc) =	sbr.abs _section_cstart, $3  }
0xc6: {  	[dreg:$0x1] =	wrdreg $0xFFFFFFFF  }
0xc7: {  	_ =	task.clear_ibuf [dreg:s9], $0x2FFFF;
	_ =	strace $0x9FFFFFFF  }
0xc8: {  	(tm) =	ssettm $0x7FFFFFFF  }
0xc9: {  	_ =	shalt  }
tec
execute0_lowered:
.L_overlay_start_1:
0x0: {  	(tag) =	ssettag $0x1  }
0x1: {  	s4 =	rddreg [dreg:$0x0]  }
0x2: {  	s5 =	rddreg [dreg:$0x1]  }
0x3: {  	s6 =	rddreg [dreg:$0x2]  }
0x4: {  	s7 =	rddreg [dreg:$0x3]  }
0x5: {  	s1 =	rddreg [dreg:$0x4]  }
0x6: {  	s2 =	rddreg [dreg:$0x5];
	s8 =	simm.s32 $0x0;
	s3 =	stileid.u32  }
0x7: {  	[smem:$0x7FF] =	sst s8;
	s9 =	sshll.u32 s3, $0x8  }
0x8: {  	s0 =	rddreg [dreg:$0x6];
	_ =	strace $0x80000047;
	s4 =	sadd.s32 s4, s9  }
0x9: {  	[tilespmem:s8], [sflag:$0x1] =	stream.linear.gather [hbm4b:s4+s8], $0x800, $0x38;
	[tilespmem:$0x3BE0] =	vst v63  }
0xa: {  	s11 =	simm.s32 $0x800;
	s10 =	sadd.s32 $0x1000, s4  }
0xb: {  	[tilespmem:s11], [sflag:$0x1] =	stream.linear.gather [hbm4b:s10+s8], $0x800, $0x38;
	[tilespmem:$0x3BE0] =	vst v63  }
0xc: {  	s24 =	simm.s32 $0x1000;
	s4 =	sadd.s32 $0x2000, s4  }
0xd: {  	[tilespmem:s24], [sflag:$0x1] =	stream.linear.gather [hbm4b:s4+s8], $0x800, $0x38;
	[tilespmem:$0x3BE0] =	vst v63  }
0xe: {  	s26 =	simm.s32 $0x1800;
	s25 =	sadd.s32 s5, s9  }
0xf: {  	[tilespmem:s26], [sflag:$0x1] =	stream.linear.gather [hbm4b:s25+s8], $0x800, $0x38;
	[tilespmem:$0x3BE0] =	vst v63  }
0x10: {  	s29 =	simm.s32 $0x2000;
	s28 =	sadd.s32 s6, s9  }
0x11: {  	[tilespmem:s29], [sflag:$0x1] =	stream.linear.gather [hbm4b:s28+s8], $0x800, $0x38;
	[tilespmem:$0x3BE0] =	vst v63  }
0x12: {  	s31 =	simm.s32 $0x2800;
	s30 =	sadd.s32 s7, s9;
	s4 =	simm.s32 $0x3020  }
0x13: {  	v0 =	vimm.f32 $0.0e+00;
	[tilespmem:s31], [sflag:$0x1] =	stream.linear.gather [hbm4b:s30+s8], $0x800, $0x38;
	[tilespmem:$0x3BE0] =	vst v63  }
0x14: {  	[tilespmem:s4+$0xFFFFFFE0] =	vst v0  }
0x15: {  	[tilespmem:s4+$0x10] =	vst v0  }
0x16: {  	s5 =	simm.s32 $0x0;
	[tilespmem:s4+$0x0] =	vst v0  }
.LBB2_1:
0x17: {  	s5 =	sadd.s32 $0x4, s5  }
0x18: {  	[tilespmem:s4+$0xFFFFFFF0] =	vst v0;
	s4 =	sadd.s32 $0x40, s4;
	p0 =	slt.u32 s5, $0x4C  }
.Ltmp0:
0x19: {  	[tilespmem:s4+$0xFFFFFFE0] =	vst v0;
	(pc) =	sbr.rel @p0 .LBB2_1-.Ltmp0, $3  }
0x1a: {  	_ =	sdelay $0x1  }
0x1b: {  	[tilespmem:s4+$0x10] =	vst v0  }
0x1c: {  	[tilespmem:s4+$0x0] =	vst v0  }
0x1d: {  	[tilespmem:s4+$0xFFFFFFF0] =	vst v0;
	s30 =	simm.s32 $0x1  }
0x1e: {  	_ =	swait.ge [sflag:s30], $0x800  }
0x1f: {  	[sflag:s30] =	ssyncset.done $0x0  }
0x20: {  	[sflag:s30] =	ssyncadd.s32 $0xFFFFF800  }
0x21: {  	_ =	swait.ge [sflag:s30], $0x800  }
0x22: {  	[sflag:s30] =	ssyncset.done $0x0  }
0x23: {  	[sflag:s30] =	ssyncadd.s32 $0xFFFFF800  }
0x24: {  	_ =	swait.ge [sflag:s30], $0x800  }
0x25: {  	[sflag:s30] =	ssyncset.done $0x0  }
0x26: {  	[sflag:s30] =	ssyncadd.s32 $0xFFFFF800  }
0x27: {  	_ =	swait.ge [sflag:s30], $0x800  }
0x28: {  	[sflag:s30] =	ssyncset.done $0x0  }
0x29: {  	[sflag:s30] =	ssyncadd.s32 $0xFFFFF800  }
0x2a: {  	_ =	swait.ge [sflag:s30], $0x800  }
0x2b: {  	[sflag:s30] =	ssyncset.done $0x0  }
0x2c: {  	[sflag:s30] =	ssyncadd.s32 $0xFFFFF800  }
0x2d: {  	_ =	swait.ge [sflag:s30], $0x800  }
0x2e: {  	[sflag:s30] =	ssyncset.done $0x0  }
0x2f: {  	s31 =	simm.s32 $0x1820;
	[sflag:s30] =	ssyncadd.s32 $0xFFFFF800  }
0x30: {  	v0 =	vld [tilespmem:s31+$0x10]  }
0x31: {  	s7 =	simm.s32 $0x1020;
	v1 =	vld [tilespmem:s31+$0xFFFFFFF0]  }
0x32: {  	v8 =	vld [tilespmem:s7+$0x10]  }
0x33: {  	s6 =	simm.s32 $0x820;
	v9 =	vld [tilespmem:s31+$0x0]  }
0x34: {  	v10 =	vld [tilespmem:s6+$0x10]  }
0x35: {  	v11 =	vld [tilespmem:s31+$0xFFFFFFE0]  }
0x36: {  	v16 =	vld [tilespmem:s7+$0xFFFFFFF0]  }
0x37: {  	v17 =	vld [tilespmem:s6+$0xFFFFFFF0]  }
0x38: {  	s5 =	simm.s32 $0x20;
	v2 =	vlaneseq.u32;
	v0 =	vshll.u32 v0, $0x4  }
0x39: {  	v3 =	vimm.f32 $1.000000000e+00;
	v4 =	vor.u32 $0x100, v2;
	v7 =	vld [tilespmem:s5+$0xFFFFFFE0];
	v12 =	vor.u32 v2, v0  }
0x3a: {  	v5 =	vor.u32 $0x200, v2;
	v6 =	vor.u32 $0x300, v2;
	v13 =	vld [tilespmem:s5+$0x10];
	v15 =	vshll.u32 v1, $0x4  }
0x3b: {  	v18 =	vld [tilespmem:s5+$0xFFFFFFF0];
	v1 =	vand.u32 $0x7, v2;
	v9 =	vshll.u32 v9, $0x4;
	v23 =	vmax.f32 v10, v8  }
0x3c: {  	v20 =	vld [tilespmem:s7+$0x0];
	v27 =	vmax.f32 v17, v16;
	v11 =	vshll.u32 v11, $0x4;
	v8 =	vadd.f32 v8, v10  }
0x3d: {  	s4 =	simm.s32 $0x3000;
	v22 =	vld [tilespmem:s6+$0x0];
	v14 =	vor.u32 v2, v15;
	v19 =	vadd.s32 v4, v15;
	v21 =	vadd.s32 v6, v0  }
0x3e: {  	v25 =	vor.u32 v2, v9;
	v19 =	vand.u32 $0xFFFFFFF8, v19;
	[tilespmem:v12+s4+$0x0] =	vst.idx.add.f32.msk $0xffff, v3;
	v12 =	vadd.s32 v4, v0  }
0x3f: {  	v24 =	vld [tilespmem:s5+$0x0];
	v19 =	vor.u32 v1, v19;
	v0 =	vadd.s32 v5, v0;
	v12 =	vand.u32 $0xFFFFFFF8, v12  }
0x40: {  	v26 =	vld [tilespmem:s7+$0xFFFFFFE0];
	v27 =	vmax.f32 v18, v27;
	v0 =	vand.u32 $0xFFFFFFF8, v0;
	v12 =	vor.u32 v1, v12  }
0x41: {  	v28 =	vld [tilespmem:s6+$0xFFFFFFE0];
	v29 =	vadd.s32 v4, v11;
	v21 =	vand.u32 $0xFFFFFFF8, v21;
	v0 =	vor.u32 v1, v0  }
0x42: {  	v23 =	vmax.f32 v13, v23;
	v21 =	vor.u32 v1, v21;
	[tilespmem:v14+s4+$0x0] =	vst.idx.add.f32.msk $0xffff, v3  }
0x43: {  	v63 =	vor.u32 v2, v11;
	v14 =	vadd.s32 v5, v9;
	[tilespmem:v25+s4+$0x0] =	vst.idx.add.f32.msk $0xffff, v3  }
0x44: {  	v29 =	vand.u32 $0xFFFFFFF8, v29;
	v10 =	vand.u32 $0xFFFFFFF8, v14;
	[tilespmem:v19+s4+$0x0] =	vst.idx.add.f32.msk $0xffff, v27;
	v19 =	vadd.s32 v4, v9  }
0x45: {  	v14 =	vadd.s32 v5, v15;
	[tilespmem:v12+s4+$0x0] =	vst.idx.add.f32.msk $0xffff, v23;
	v12 =	vand.u32 $0xFFFFFFF8, v19;
	v19 =	vor.u32 v1, v29  }
0x46: {  	v15 =	vadd.s32 v6, v15;
	v12 =	vor.u32 v1, v12;
	[tilespmem:v0+s4+$0x0] =	vst.idx.add.f32.msk $0xffff, v13  }
0x47: {  	s7 =	simm.s32 $0x2820;
	v0 =	vor.u32 v1, v10;
	v10 =	vadd.s32 v5, v11;
	v13 =	vand.u32 $0xFFFFFFF8, v14;
	[tilespmem:v21+s4+$0x0] =	vst.idx.add.f32.msk $0xffff, v8  }
0x48: {  	v14 =	vmax.f32 v22, v20;
	v8 =	vadd.s32 v6, v9;
	v9 =	vmax.f32 v28, v26;
	v21 =	vld [tilespmem:s7+$0x10]  }
0x49: {  	[tilespmem:v63+s4+$0x0] =	vst.idx.add.f32.msk $0xffff, v3;
	v13 =	vor.u32 v1, v13;
	v8 =	vand.u32 $0xFFFFFFF8, v8;
	v9 =	vmax.f32 v7, v9  }
0x4a: {  	s8 =	simm.s32 $0x2020;
	v15 =	vand.u32 $0xFFFFFFF8, v15;
	v11 =	vadd.s32 v6, v11;
	[tilespmem:v19+s4+$0x0] =	vst.idx.add.f32.msk $0xffff, v9;
	v19 =	vor.u32 v1, v8  }
0x4b: {  	v10 =	vand.u32 $0xFFFFFFF8, v10;
	v9 =	vmax.f32 v24, v14;
	v8 =	vor.u32 $0x400, v2;
	v14 =	vld [tilespmem:s8+$0x10]  }
0x4c: {  	[tilespmem:v12+s4+$0x0] =	vst.idx.add.f32.msk $0xffff, v9;
	v9 =	vor.u32 v1, v10;
	v10 =	vand.u32 $0xFFFFFFF8, v11;
	v12 =	vadd.f32 v20, v22  }
0x4d: {  	v11 =	vadd.f32 v16, v17;
	v16 =	vor.u32 v1, v15;
	[tilespmem:v0+s4+$0x0] =	vst.idx.add.f32.msk $0xffff, v24;
	v0 =	vshll.u32 v21, $0x4  }
0x4e: {  	[tilespmem:v13+s4+$0x0] =	vst.idx.add.f32.msk $0xffff, v18;
	v0 =	vadd.s32 v8, v0  }
0x4f: {  	s9 =	simm.s32 $0x0;
	s10 =	simm.s32 $0x2860;
	v10 =	vor.u32 v1, v10;
	[tilespmem:v19+s4+$0x0] =	vst.idx.add.f32.msk $0xffff, v12;
	v0 =	vand.u32 $0xFFFFFFF8, v0  }
0x50: {  	s11 =	simm.s32 $0x1060;
	s12 =	simm.s32 $0x1860;
	s13 =	simm.s32 $0x2060;
	v13 =	vadd.f32 v26, v28;
	v15 =	vld [tilespmem:s8+$0x0];
	v12 =	vor.u32 v1, v0;
	v0 =	vimm.f32 $0.0e+00  }
.LBB2_3:
0x51: {  	s9 =	sadd.s32 $0x4, s9;
	v17 =	vld [tilespmem:s7+$0x0];
	s5 =	sadd.s32 $0x40, s5;
	s6 =	sadd.s32 $0x40, s6  }
0x52: {  	vm0 =	veq.s32 v14, $0x4;
	vm1 =	veq.s32 v14, $0x1;
	p0 =	slt.u32 s9, $0x7C;
	[tilespmem:v16+s4+$0x0] =	vst.idx.add.f32.msk $0xffff, v11  }
0x53: {  	[tilespmem:v9+s4+$0x0] =	vst.idx.add.f32.msk $0xffff, v7;
	v7 =	vsel vm0, $0x3F800000, v0;
	v9 =	vsel vm1, $0x45800000, v0  }
0x54: {  	[tilespmem:v10+s4+$0x0] =	vst.idx.add.f32.msk $0xffff, v13;
	v7 =	vadd.f32 v9, v7  }
0x55: {  	v9 =	vld [tilespmem:s7+$0xFFFFFFE0];
	vm0 =	veq.s32 v15, $0x4;
	vm1 =	veq.s32 v15, $0x1  }
0x56: {  	v10 =	vld [tilespmem:s7+$0xFFFFFFF0];
	v11 =	vshll.u32 v17, $0x4;
	v13 =	vsel vm0, $0x3F800000, v0;
	v14 =	vsel vm1, $0x45800000, v0;
	s7 =	smov.u32 s10  }
0x57: {  	v15 =	vld [tilespmem:s8+$0xFFFFFFE0];
	v13 =	vadd.f32 v14, v13;
	v11 =	vadd.s32 v8, v11  }
0x58: {  	v14 =	vld [tilespmem:s8+$0xFFFFFFF0];
	v11 =	vand.u32 $0xFFFFFFF8, v11;
	s8 =	smov.u32 s13  }
0x59: {  	[tilespmem:v12+s4+$0x0] =	vst.idx.add.f32.msk $0xffff, v7  }
0x5a: {  	v7 =	vld [tilespmem:s5+$0xFFFFFFE0];
	v9 =	vshll.u32 v9, $0x4  }
0x5b: {  	v11 =	vor.u32 v1, v11;
	v12 =	vld [tilespmem:s11+$0x10];
	v9 =	vadd.s32 v8, v9;
	v10 =	vshll.u32 v10, $0x4  }
0x5c: {  	v16 =	vld [tilespmem:s12+$0xFFFFFFF0];
	vm0 =	veq.s32 v15, $0x1;
	v9 =	vand.u32 $0xFFFFFFF8, v9;
	v10 =	vadd.s32 v8, v10  }
0x5d: {  	v17 =	vld [tilespmem:s12+$0x10];
	v18 =	vsel vm0, $0x45800000, v0;
	v9 =	vor.u32 v1, v9;
	vm0 =	veq.s32 v14, $0x1  }
0x5e: {  	vm1 =	veq.s32 v15, $0x4;
	v10 =	vand.u32 $0xFFFFFFF8, v10;
	v19 =	vld [tilespmem:s12+$0x0];
	v15 =	vsel vm0, $0x45800000, v0  }
0x5f: {  	v21 =	vsel vm1, $0x3F800000, v0;
	v10 =	vor.u32 v1, v10;
	v20 =	vld [tilespmem:s6+$0x10]  }
0x60: {  	v18 =	vadd.f32 v18, v21;
	vm0 =	veq.s32 v14, $0x4;
	v22 =	vld [tilespmem:s12+$0xFFFFFFE0]  }
0x61: {  	v14 =	vsel vm0, $0x3F800000, v0;
	[tilespmem:v11+s4+$0x0] =	vst.idx.add.f32.msk $0xffff, v13  }
0x62: {  	v11 =	vshll.u32 v17, $0x4;
	[tilespmem:v9+s4+$0x0] =	vst.idx.add.f32.msk $0xffff, v18;
	v9 =	vadd.f32 v15, v14  }
0x63: {  	v13 =	vshll.u32 v19, $0x4;
	v14 =	vld [tilespmem:s5+$0x10];
	v15 =	vor.u32 v2, v11;
	v17 =	vadd.s32 v6, v11  }
0x64: {  	v16 =	vshll.u32 v16, $0x4;
	v18 =	vadd.s32 v5, v13;
	v19 =	vmax.f32 v20, v12;
	[tilespmem:v10+s4+$0x0] =	vst.idx.add.f32.msk $0xffff, v9  }
0x65: {  	v9 =	vor.u32 v2, v16;
	v23 =	vadd.s32 v4, v13;
	v17 =	vand.u32 $0xFFFFFFF8, v17;
	v21 =	vld [tilespmem:s11+$0xFFFFFFF0]  }
0x66: {  	v25 =	vadd.s32 v4, v11;
	v10 =	vadd.s32 v4, v16;
	v18 =	vand.u32 $0xFFFFFFF8, v18;
	v24 =	vld [tilespmem:s6+$0xFFFFFFF0]  }
0x67: {  	v11 =	vadd.s32 v5, v11;
	v10 =	vand.u32 $0xFFFFFFF8, v10;
	v18 =	vor.u32 v1, v18;
	v26 =	vld [tilespmem:s5+$0xFFFFFFF0]  }
0x68: {  	v22 =	vshll.u32 v22, $0x4;
	v27 =	vor.u32 v1, v10;
	v10 =	vand.u32 $0xFFFFFFF8, v11;
	[tilespmem:v15+s4+$0x0] =	vst.idx.add.f32.msk $0xffff, v3  }
0x69: {  	v11 =	vadd.s32 v5, v22;
	v29 =	vor.u32 v1, v10;
	v15 =	vor.u32 v2, v22;
	v28 =	vld [tilespmem:s11+$0x0]  }
0x6a: {  	v10 =	vadd.s32 v4, v22;
	v11 =	vand.u32 $0xFFFFFFF8, v11;
	[tilespmem:v9+s4+$0x0] =	vst.idx.add.f32.msk $0xffff, v3;
	v9 =	vand.u32 $0xFFFFFFF8, v25  }
0x6b: {  	v25 =	vand.u32 $0xFFFFFFF8, v10;
	v10 =	vadd.s32 v6, v22;
	v22 =	vld [tilespmem:s6+$0x0];
	v30 =	vor.u32 v1, v9  }
0x6c: {  	v9 =	vor.u32 v1, v11;
	v10 =	vand.u32 $0xFFFFFFF8, v10;
	v11 =	vor.u32 v2, v13;
	v31 =	vld [tilespmem:s5+$0x0]  }
0x6d: {  	v23 =	vand.u32 $0xFFFFFFF8, v23;
	v33 =	vmax.f32 v24, v21;
	v10 =	vor.u32 v1, v10;
	v32 =	vld [tilespmem:s11+$0xFFFFFFE0]  }
0x6e: {  	v17 =	vor.u32 v1, v17;
	v19 =	vmax.f32 v14, v19;
	v33 =	vmax.f32 v26, v33;
	v34 =	vld [tilespmem:s6+$0xFFFFFFE0]  }
0x6f: {  	v12 =	vadd.f32 v12, v20;
	v25 =	vor.u32 v1, v25;
	[tilespmem:v27+s4+$0x0] =	vst.idx.add.f32.msk $0xffff, v33  }
0x70: {  	v20 =	vadd.s32 v5, v16;
	v23 =	vor.u32 v1, v23;
	[tilespmem:v30+s4+$0x0] =	vst.idx.add.f32.msk $0xffff, v19  }
0x71: {  	v13 =	vadd.s32 v6, v13;
	v19 =	vand.u32 $0xFFFFFFF8, v20;
	v20 =	vadd.f32 v28, v22;
	[tilespmem:v11+s4+$0x0] =	vst.idx.add.f32.msk $0xffff, v3  }
0x72: {  	v16 =	vadd.s32 v6, v16;
	v11 =	vadd.f32 v21, v24;
	v21 =	vand.u32 $0xFFFFFFF8, v13;
	[tilespmem:v29+s4+$0x0] =	vst.idx.add.f32.msk $0xffff, v14  }
0x73: {  	v16 =	vand.u32 $0xFFFFFFF8, v16;
	v14 =	vmax.f32 v34, v32;
	v13 =	vadd.f32 v32, v34;
	[tilespmem:v17+s4+$0x0] =	vst.idx.add.f32.msk $0xffff, v12  }
0x74: {  	v12 =	vmax.f32 v22, v28;
	v17 =	vld [tilespmem:s10+$0x10]  }
0x75: {  	v14 =	vmax.f32 v7, v14;
	[tilespmem:v15+s4+$0x0] =	vst.idx.add.f32.msk $0xffff, v3;
	v15 =	vor.u32 v1, v19  }
0x76: {  	v12 =	vmax.f32 v31, v12;
	v19 =	vor.u32 v1, v21;
	[tilespmem:v25+s4+$0x0] =	vst.idx.add.f32.msk $0xffff, v14  }
0x77: {  	[tilespmem:v23+s4+$0x0] =	vst.idx.add.f32.msk $0xffff, v12  }
.Ltmp1:
0x78: {  	v14 =	vld [tilespmem:s13+$0x10];
	(pc) =	sbr.rel @p0 .LBB2_3-.Ltmp1, $4  }
0x79: {  	v16 =	vor.u32 v1, v16;
	[tilespmem:v18+s4+$0x0] =	vst.idx.add.f32.msk $0xffff, v31;
	v12 =	vshll.u32 v17, $0x4  }
0x7a: {  	[tilespmem:v15+s4+$0x0] =	vst.idx.add.f32.msk $0xffff, v26;
	v12 =	vadd.s32 v8, v12  }
0x7b: {  	s10 =	sadd.s32 $0x40, s10;
	[tilespmem:v19+s4+$0x0] =	vst.idx.add.f32.msk $0xffff, v20;
	v12 =	vand.u32 $0xFFFFFFF8, v12  }
0x7c: {  	s12 =	sadd.s32 $0x40, s12;
	s11 =	sadd.s32 $0x40, s11;
	s13 =	sadd.s32 $0x40, s13;
	v15 =	vld [tilespmem:s8+$0x0];
	v12 =	vor.u32 v1, v12  }
0x7d: {  	_ =	sdelay $0x2  }
0x7e: {  	v2 =	vld [tilespmem:s7+$0x0]  }
0x7f: {  	[tilespmem:v16+s4+$0x0] =	vst.idx.add.f32.msk $0xffff, v11  }
0x80: {  	[tilespmem:v9+s4+$0x0] =	vst.idx.add.f32.msk $0xffff, v7  }
0x81: {  	[tilespmem:v10+s4+$0x0] =	vst.idx.add.f32.msk $0xffff, v13  }
0x82: {  	v4 =	vld [tilespmem:s7+$0xFFFFFFF0]  }
0x83: {  	vm0 =	veq.s32 v14, $0x4;
	vm1 =	veq.s32 v14, $0x1;
	v3 =	vld [tilespmem:s7+$0xFFFFFFE0]  }
0x84: {  	v5 =	vsel vm0, $0x3F800000, v0;
	v6 =	vsel vm1, $0x45800000, v0;
	v7 =	vld [tilespmem:s8+$0xFFFFFFE0]  }
0x85: {  	v13 =	vadd.f32 v6, v5;
	v5 =	vld [tilespmem:s8+$0xFFFFFFF0]  }
0x86: {  	vm10 =	veq.s32 v15, $0x4;
	vm11 =	veq.s32 v15, $0x1  }
0x87: {  	v2 =	vshll.u32 v2, $0x4;
	v6 =	vsel vm10, $0x3F800000, v0;
	v9 =	vsel vm11, $0x45800000, v0  }
0x88: {  	v14 =	vadd.f32 v9, v6;
	v2 =	vadd.s32 v8, v2;
	v4 =	vshll.u32 v4, $0x4  }
0x89: {  	v3 =	vshll.u32 v3, $0x4;
	v2 =	vand.u32 $0xFFFFFFF8, v2;
	vm12 =	veq.s32 v7, $0x1  }
0x8a: {  	vm13 =	veq.s32 v5, $0x1;
	vm14 =	veq.s32 v7, $0x4;
	vm15 =	veq.s32 v5, $0x4  }
0x8b: {  	s6 =	simm.s32 $0x2;
	v5 =	vlaneseq.u32;
	v3 =	vadd.s32 v8, v3;
	v15 =	vor.u32 v1, v2  }
0x8c: {  	s30 =	simm.s32 $0x3;
	s31 =	simm.s32 $0x1;
	v7 =	vsel vm14, $0x3F800000, v0;
	v6 =	vmul.u32 $0x10, v5;
	v11 =	vadd.s32 s6, v5  }
0x8d: {  	v9 =	vadd.s32 s30, v5;
	v17 =	vadd.s32 s31, v5;
	v2 =	vand.u32 $0xFFFFFFF8, v3  }
0x8e: {  	v3 =	vadd.s32 v8, v4;
	v4 =	vsel vm12, $0x45800000, v0;
	v8 =	vsel vm15, $0x3F800000, v0  }
0x8f: {  	v10 =	vand.u32 $0x7, v17;
	v17 =	vand.u32 $0xF, v17;
	v16 =	vor.u32 v1, v2  }
0x90: {  	v2 =	vsel vm13, $0x45800000, v0;
	v3 =	vand.u32 $0xFFFFFFF8, v3;
	v19 =	vadd.f32 v4, v7  }
0x91: {  	v7 =	vor.u32 $0x100, v6;
	v4 =	vor.u32 $0x200, v6;
	v18 =	vor.u32 v1, v3  }
0x92: {  	s5 =	simm.s32 $0x0;
	v20 =	vadd.f32 v2, v8;
	v1 =	vor.u32 $0x300, v6;
	v3 =	vor.u32 $0x400, v6  }
0x93: {  	v2 =	vadd.s32 s5, v5;
	v8 =	vand.u32 $0x7, v11;
	v11 =	vand.u32 $0xF, v11  }
0x94: {  	v21 =	vand.u32 $0xF, v2;
	v22 =	vand.u32 $0x7, v2;
	v2 =	vand.u32 $0x7, v9  }
0x95: {  	[tilespmem:v12+s4+$0x0] =	vst.idx.add.f32.msk $0xffff, v13;
	v9 =	vand.u32 $0xF, v9;
	v28 =	vor.u32 v4, v11;
	v23 =	vor.u32 v6, v21  }
0x96: {  	v24 =	vor.u32 v7, v21;
	v25 =	vor.u32 v4, v21;
	v13 =	vor.u32 v1, v21  }
0x97: {  	v21 =	vor.u32 v3, v21;
	[tilespmem:v15+s4+$0x0] =	vst.idx.add.f32.msk $0xffff, v14;
	v14 =	vor.u32 v6, v9;
	v23 =	vand.u32 $0xF8, v23  }
0x98: {  	v12 =	vand.u32 $0x1F8, v24;
	v24 =	vand.u32 $0x2F8, v25;
	v23 =	vor.u32 v22, v23  }
0x99: {  	v13 =	vand.u32 $0x3F8, v13;
	v15 =	vand.u32 $0x4F8, v21;
	v12 =	vor.u32 v22, v12  }
0x9a: {  	v21 =	vor.u32 v7, v9;
	v26 =	vor.u32 v22, v24;
	v13 =	vor.u32 v22, v13  }
0x9b: {  	v14 =	vand.u32 $0xF8, v14;
	v15 =	vor.u32 v22, v15;
	[tilespmem:v16+s4+$0x0] =	vst.idx.add.f32.msk $0xffff, v19;
	v19 =	vor.u32 v4, v9  }
0x9c: {  	v16 =	vor.u32 v6, v17;
	v25 =	vor.u32 v2, v14;
	v14 =	vand.u32 $0x1F8, v21;
	[tilespmem:v18+s4+$0x0] =	vst.idx.add.f32.msk $0xffff, v20;
	s4 =	simm.s32 $0x3000  }
0x9d: {  	v22 =	vor.u32 v1, v9;
	v18 =	vand.u32 $0xF8, v16;
	v24 =	vor.u32 v2, v14;
	v21 =	vld.idx.msk [tilespmem:v23+s4+$0x0], $0xffff  }
0x9e: {  	v14 =	vor.u32 v6, v11;
	v20 =	vor.u32 v7, v11;
	v27 =	vor.u32 v10, v18;
	v16 =	vld.idx.msk [tilespmem:v12+s4+$0x0], $0xffff  }
0x9f: {  	v14 =	vand.u32 $0xF8, v14;
	v29 =	vand.u32 $0x1F8, v20;
	v12 =	vand.u32 $0x2F8, v19;
	v18 =	vld.idx.msk [tilespmem:v26+s4+$0x0], $0xffff  }
0xa0: {  	v26 =	vor.u32 v8, v14;
	v19 =	vld.idx.msk [tilespmem:v13+s4+$0x0], $0xffff;
	v13 =	vimm.f32 $0.0e+00;
	v23 =	vor.u32 v2, v12  }
0xa1: {  	s5 =	simm.s32 $0x4;
	v20 =	vld.idx.msk [tilespmem:v15+s4+$0x0], $0xffff;
	v14 =	vimm.f32 $0.0e+00;
	v15 =	vimm.f32 $0.0e+00;
	v12 =	vimm.f32 $0.0e+00  }
.LBB2_5:
0xa2: {  	p0 =	slt.u32 s5, $0xC;
	v30 =	vor.u32 v7, v17;
	v29 =	vor.u32 v8, v29;
	v28 =	vand.u32 $0x2F8, v28;
	v25 =	vld.idx.msk [tilespmem:v25+s4+$0x0], $0xffff  }
0xa3: {  	v31 =	vor.u32 v4, v17;
	v30 =	vand.u32 $0x1F8, v30;
	v28 =	vor.u32 v8, v28;
	v24 =	vld.idx.msk [tilespmem:v24+s4+$0x0], $0xffff  }
0xa4: {  	v32 =	vor.u32 v1, v17;
	v31 =	vand.u32 $0x2F8, v31;
	v27 =	vld.idx.msk [tilespmem:v27+s4+$0x0], $0xffff;
	v30 =	vor.u32 v10, v30  }
0xa5: {  	v17 =	vor.u32 v3, v17;
	v32 =	vand.u32 $0x3F8, v32;
	v31 =	vor.u32 v10, v31;
	v23 =	vld.idx.msk [tilespmem:v23+s4+$0x0], $0xffff  }
0xa6: {  	v33 =	vor.u32 v1, v11;
	v17 =	vand.u32 $0x4F8, v17;
	v32 =	vor.u32 v10, v32;
	v26 =	vld.idx.msk [tilespmem:v26+s4+$0x0], $0xffff  }
0xa7: {  	v11 =	vor.u32 v3, v11;
	v10 =	vor.u32 v10, v17;
	v17 =	vand.u32 $0x3F8, v33;
	v29 =	vld.idx.msk [tilespmem:v29+s4+$0x0], $0xffff  }
0xa8: {  	v0 =	vadd.f32 v21, v0;
	v11 =	vand.u32 $0x4F8, v11;
	v17 =	vor.u32 v8, v17;
	v21 =	vld.idx.msk [tilespmem:v28+s4+$0x0], $0xffff  }
0xa9: {  	v9 =	vor.u32 v3, v9;
	v11 =	vor.u32 v8, v11;
	v8 =	vand.u32 $0x3F8, v22;
	v28 =	vld.idx.msk [tilespmem:v30+s4+$0x0], $0xffff  }
0xaa: {  	v0 =	vadd.f32 v27, v0;
	v27 =	vor.u32 v2, v8;
	v8 =	vand.u32 $0x4F8, v9;
	v22 =	vld.idx.msk [tilespmem:v31+s4+$0x0], $0xffff  }
0xab: {  	s6 =	sadd.s32 $0x2, s5;
	s7 =	sadd.s32 $0x3, s5;
	v9 =	vadd.s32 s5, v5;
	v31 =	vor.u32 v2, v8;
	v30 =	vld.idx.msk [tilespmem:v32+s4+$0x0], $0xffff  }
0xac: {  	s8 =	sadd.s32 $0x1, s5;
	v33 =	vadd.s32 s7, v5;
	v32 =	vadd.s32 s6, v5;
	v0 =	vadd.f32 v26, v0;
	v34 =	vld.idx.msk [tilespmem:v10+s4+$0x0], $0xffff  }
0xad: {  	v36 =	vadd.s32 s8, v5;
	v35 =	vand.u32 $0x7, v9;
	v26 =	vand.u32 $0xF, v9;
	v37 =	vld.idx.msk [tilespmem:v17+s4+$0x0], $0xffff  }
0xae: {  	v2 =	vand.u32 $0x7, v33;
	v8 =	vand.u32 $0x7, v32;
	v0 =	vadd.f32 v25, v0;
	v38 =	vld.idx.msk [tilespmem:v11+s4+$0x0], $0xffff  }
0xaf: {  	v13 =	vadd.f32 v16, v13;
	v14 =	vadd.f32 v18, v14;
	v9 =	vand.u32 $0xF, v33;
	v16 =	vld.idx.msk [tilespmem:v27+s4+$0x0], $0xffff  }
0xb0: {  	v12 =	vadd.f32 v19, v12;
	v15 =	vadd.f32 v20, v15;
	v10 =	vand.u32 $0x7, v36;
	v18 =	vld.idx.msk [tilespmem:v31+s4+$0x0], $0xffff  }
0xb1: {  	v11 =	vand.u32 $0xF, v32;
	v13 =	vadd.f32 v28, v13;
	v14 =	vadd.f32 v22, v14  }
0xb2: {  	v17 =	vand.u32 $0xF, v36;
	v12 =	vadd.f32 v30, v12;
	v15 =	vadd.f32 v34, v15  }
0xb3: {  	v19 =	vor.u32 v6, v26;
	v13 =	vadd.f32 v29, v13;
	v14 =	vadd.f32 v21, v14  }
0xb4: {  	v20 =	vor.u32 v7, v26;
	v12 =	vadd.f32 v37, v12;
	v15 =	vadd.f32 v38, v15  }
0xb5: {  	v21 =	vor.u32 v4, v26;
	v13 =	vadd.f32 v24, v13;
	v14 =	vadd.f32 v23, v14  }
0xb6: {  	v19 =	vand.u32 $0xF8, v19;
	v12 =	vadd.f32 v16, v12;
	v15 =	vadd.f32 v18, v15  }
0xb7: {  	v16 =	vor.u32 v35, v19;
	v19 =	vor.u32 v1, v26;
	v18 =	vand.u32 $0x1F8, v20  }
0xb8: {  	v20 =	vand.u32 $0x2F8, v21;
	v21 =	vor.u32 v3, v26;
	v18 =	vor.u32 v35, v18  }
0xb9: {  	v22 =	vor.u32 v6, v9;
	v19 =	vand.u32 $0x3F8, v19;
	v20 =	vor.u32 v35, v20  }
0xba: {  	v23 =	vor.u32 v7, v9;
	v19 =	vor.u32 v35, v19;
	v21 =	vand.u32 $0x4F8, v21  }
0xbb: {  	v28 =	vor.u32 v4, v9;
	v22 =	vand.u32 $0xF8, v22;
	v26 =	vor.u32 v35, v21  }
.Ltmp2:
0xbc: {  	v25 =	vor.u32 v2, v22;
	v24 =	vor.u32 v6, v17;
	v22 =	vand.u32 $0x1F8, v23;
	v21 =	vld.idx.msk [tilespmem:v16+s4+$0x0], $0xffff;
	(pc) =	sbr.rel @p0 .LBB2_5-.Ltmp2, $4  }
0xbd: {  	v23 =	vand.u32 $0xF8, v24;
	v24 =	vor.u32 v2, v22;
	v22 =	vor.u32 v1, v9;
	v16 =	vld.idx.msk [tilespmem:v18+s4+$0x0], $0xffff  }
0xbe: {  	v27 =	vor.u32 v10, v23;
	v23 =	vand.u32 $0x2F8, v28;
	v18 =	vld.idx.msk [tilespmem:v20+s4+$0x0], $0xffff;
	v20 =	vor.u32 v6, v11  }
0xbf: {  	v29 =	vor.u32 v7, v11;
	v23 =	vor.u32 v2, v23;
	v19 =	vld.idx.msk [tilespmem:v19+s4+$0x0], $0xffff;
	v28 =	vand.u32 $0xF8, v20  }
0xc0: {  	s5 =	sadd.s32 $0x4, s5;
	v29 =	vand.u32 $0x1F8, v29;
	v20 =	vld.idx.msk [tilespmem:v26+s4+$0x0], $0xffff;
	v26 =	vor.u32 v8, v28;
	v28 =	vor.u32 v4, v11  }
0xc1: {  	_ =	sdelay $0x1  }
0xc2: {  	v5 =	vor.u32 v3, v17  }
0xc3: {  	v6 =	vor.u32 v7, v17;
	v41 =	vor.u32 v8, v29;
	v5 =	vand.u32 $0x4F8, v5  }
0xc4: {  	v25 =	vld.idx.msk [tilespmem:v25+s4+$0x0], $0xffff;
	v42 =	vor.u32 v3, v11;
	v6 =	vand.u32 $0x1F8, v6;
	v5 =	vor.u32 v10, v5  }
0xc5: {  	v4 =	vor.u32 v4, v17;
	v24 =	vld.idx.msk [tilespmem:v24+s4+$0x0], $0xffff;
	v29 =	vand.u32 $0x4F8, v42;
	v6 =	vor.u32 v10, v6  }
0xc6: {  	v43 =	vor.u32 v3, v9;
	v44 =	vld.idx.msk [tilespmem:v27+s4+$0x0], $0xffff;
	v4 =	vand.u32 $0x2F8, v4;
	v45 =	vor.u32 v8, v29  }
0xc7: {  	v46 =	vor.u32 v1, v17;
	v26 =	vld.idx.msk [tilespmem:v26+s4+$0x0], $0xffff;
	v3 =	vand.u32 $0x4F8, v43;
	v4 =	vor.u32 v10, v4  }
0xc8: {  	v17 =	vand.u32 $0x3F8, v46;
	v3 =	vor.u32 v2, v3;
	v7 =	vld.idx.msk [tilespmem:v41+s4+$0x0], $0xffff  }
0xc9: {  	v28 =	vand.u32 $0x2F8, v28;
	v48 =	vor.u32 v1, v11;
	v47 =	vor.u32 v10, v17;
	v5 =	vld.idx.msk [tilespmem:v5+s4+$0x0], $0xffff  }
0xca: {  	v49 =	vor.u32 v8, v28;
	v1 =	vand.u32 $0x3F8, v48;
	v6 =	vld.idx.msk [tilespmem:v6+s4+$0x0], $0xffff  }
0xcb: {  	v1 =	vor.u32 v8, v1;
	v50 =	vld.idx.msk [tilespmem:v45+s4+$0x0], $0xffff  }
0xcc: {  	v51 =	vand.u32 $0x3F8, v22;
	v15 =	vadd.f32 v20, v15;
	v4 =	vld.idx.msk [tilespmem:v4+s4+$0x0], $0xffff  }
0xcd: {  	v0 =	vadd.f32 v21, v0;
	v52 =	vor.u32 v2, v51;
	v3 =	vld.idx.msk [tilespmem:v3+s4+$0x0], $0xffff  }
0xce: {  	v55 =	vadd.f32 v16, v13;
	v53 =	vld.idx.msk [tilespmem:v47+s4+$0x0], $0xffff;
	v5 =	vadd.f32 v5, v15  }
0xcf: {  	v56 =	vadd.f32 v18, v14;
	v0 =	vadd.f32 v44, v0;
	v54 =	vld.idx.msk [tilespmem:v49+s4+$0x0], $0xffff  }
0xd0: {  	v12 =	vadd.f32 v19, v12;
	v1 =	vld.idx.msk [tilespmem:v1+s4+$0x0], $0xffff;
	v5 =	vadd.f32 v50, v5  }
0xd1: {  	v57 =	vld.idx.msk [tilespmem:v23+s4+$0x0], $0xffff;
	v0 =	vadd.f32 v26, v0;
	v6 =	vadd.f32 v6, v55  }
0xd2: {  	v2 =	vld.idx.msk [tilespmem:v52+s4+$0x0], $0xffff;
	v4 =	vadd.f32 v4, v56;
	v3 =	vadd.f32 v3, v5  }
0xd3: {  	v58 =	vadd.f32 v53, v12;
	v6 =	vadd.f32 v7, v6  }
0xd4: {  	v0 =	vadd.f32 v25, v0;
	v4 =	vadd.f32 v54, v4;
	v3 =	vtrunc.f32 v3  }
0xd5: {  	v1 =	vadd.f32 v1, v58;
	v59 =	vadd.f32 v24, v6;
	v3 =	vcvt.f32.s32 v3  }
0xd6: {  	[tilespmem:$0x3500] =	vst v0;
	v4 =	vadd.f32 v57, v4  }
0xd7: {  	v60 =	vadd.f32 v2, v1;
	[tilespmem:$0x3510] =	vst v59;
	v61 =	vand.u32 $0xFFF, v3  }
0xd8: {  	s31 =	smul.u32 $0x180, s3;
	[tilespmem:$0x3520] =	vst v4;
	v62 =	vshra.s32 v3, $0xC;
	v1 =	vcvt.s32.f32 v61  }
0xd9: {  	[tilespmem:$0x3530] =	vst v60;
	v63 =	vcvt.s32.f32 v62  }
0xda: {  	s4 =	sshrl.u32 s31, $0x2;
	[tilespmem:$0x3540] =	vst v1  }
0xdb: {  	s5 =	simm.s32 $0x3500;
	s4 =	sadd.s32 s4, s2;
	[tilespmem:$0x3550] =	vst v63  }
0xdc: {  	[spmem:s4] =	stream.linear.scatter [tilespmem:s5], [sflag:$0x2], $0x60, $0x38;
	[tilespmem:$0x3BE0] =	vst v63  }
0xdd: {  	s4 =	simm.s32 $0x2  }
0xde: {  	_ =	swait.ge [sflag:s4], $0x60  }
0xdf: {  	[sflag:s4] =	ssyncset.done $0x0  }
0xe0: {  	[sflag:s4] =	ssyncadd.s32 $0xFFFFFFA0  }
0xe1: {  	p0 =	sne.s32 s3, $0x0;
	[bflag:$0x0] =	sbarrier.arrive $0xFFFF  }
0xe2: {  	_ =	sfence.sel @p0 $0x180000  }
0xe3: {  	[bflag:$0x0] =	sbarrier.arrive @p0 $0xFFFF  }
0xe4: {  	_ =	strace @p0 $0x90000047  }
0xe5: {  	[bflag:$0x2] =	sbarrier.arrive @p0 $0xFFFF  }
0xe6: {  	_ =	shalt @p0  }
.LBB2_7:
0xe7: {  	s3 =	simm.s32 $0x3560  }
0xe8: {  	[tilespmem:s3], [sflag:$0x2] =	stream.linear.gather [spmem:s2], $0x600, $0x38;
	[tilespmem:$0x3BE0] =	vst v63  }
0xe9: {  	_ =	swait.ge [sflag:s4], $0x600  }
0xea: {  	[sflag:s4] =	ssyncset.done $0x0  }
0xeb: {  	s2 =	simm.s32 $0x0;
	[sflag:s4] =	ssyncadd.s32 $0xFFFFFA00  }
0xec: {  	v4 =	vld [tilespmem:s2+$0x35B0]  }
0xed: {  	v8 =	vld [tilespmem:s2+$0x3560]  }
0xee: {  	v7 =	vld [tilespmem:s2+$0x3570]  }
0xef: {  	v5 =	vimm.f32 $0.0e+00;
	v10 =	vimm.f32 $0.0e+00;
	v9 =	vimm.f32 $0.0e+00;
	v3 =	vld [tilespmem:s2+$0x3580]  }
0xf0: {  	v6 =	vimm.f32 $0.0e+00;
	v0 =	vimm.f32 $0.0e+00;
	v2 =	vimm.f32 $0.0e+00;
	s3 =	simm.s32 $0x180;
	v1 =	vld [tilespmem:s2+$0x3590]  }
.LBB2_8:
0xf1: {  	p0 =	sne.s32 s3, $0x1680;
	v11 =	vld [tilespmem:s2+$0x35A0];
	s2 =	sshra.s32 s3, $0x2;
	s3 =	sadd.s32 $0x180, s3;
	v5 =	vadd.f32 v4, v5  }
.Ltmp3:
0xf2: {  	v4 =	vld [tilespmem:s2+$0x35B0];
	v10 =	vadd.f32 v8, v10;
	(pc) =	sbr.rel @p0 .LBB2_8-.Ltmp3, $4  }
0xf3: {  	v8 =	vld [tilespmem:s2+$0x3560];
	v9 =	vadd.f32 v7, v9  }
0xf4: {  	v7 =	vld [tilespmem:s2+$0x3570];
	v6 =	vadd.f32 v3, v6  }
0xf5: {  	v3 =	vld [tilespmem:s2+$0x3580];
	v0 =	vadd.f32 v1, v0  }
0xf6: {  	v1 =	vld [tilespmem:s2+$0x3590];
	v2 =	vadd.f32 v11, v2  }
0xf7: {  	_ = 	snop  }
0xf8: {  	v8 =	vadd.f32 v8, v10;
	_ =	sdelay $0x1  }
0xf9: {  	(erf) = vrcp.f32 v8;
	_ =	sdelay $0x7  }
0xfa: {  	v7 =	vadd.f32 v7, v9  }
0xfb: {  	v4 =	vadd.f32 v4, v5;
	v54 =	vpop (erf)  }
0xfc: {  	vm0 =	vlt.f32 v8, $6.000000000e+00;
	v5 =	vmul.f32 v54, v7  }
0xfd: {  	v4 =	vnsel vm0, $0x0, v4  }
0xfe: {  	v3 =	vadd.f32 v3, v6;
	v4 =	vmul.f32 v4, v5;
	_ =	sdelay $0x1  }
0xff: {  	v55 =	vmul.f32 $5.000000000e+00, v5;
	v3 =	vadd.f32 v4, v3;
	_ =	sdelay $0x1  }
0x100: {  	v3 =	vsub.f32 v55, v3  }
0x101: {  	v56 =	vld [tilespmem:s2+$0x35A0]  }
0x102: {  	v3 =	vadd.f32 $0.0e+00, v3;
	_ =	sdelay $0x1  }
0x103: {  	v3 =	vmul.f32 $1.442695020e+00, v3;
	_ =	sdelay $0x1  }
0x104: {  	v2 =	vadd.f32 v56, v2;
	(erf) = vpow2.f32 v3;
	_ =	sdelay $0x1  }
0x105: {  	v2 =	vnsel vm0, $0x0, v2  }
0x106: {  	v0 =	vadd.f32 v1, v0;
	v57 =	vmul.f32 v2, v5;
	_ =	sdelay $0x1  }
0x107: {  	v0 =	vadd.f32 v57, v0;
	_ =	sdelay $0x1  }
0x108: {  	v0 =	vsub.f32 v5, v0;
	_ =	sdelay $0x1  }
0x109: {  	v0 =	vadd.f32 $0.0e+00, v0;
	v58 =	vpop (erf)  }
0x10a: {  	v1 =	vadd.f32 $1.000000000e+00, v58  }
0x10b: {  	v0 =	vmul.f32 $1.442695020e+00, v0  }
0x10c: {  	(erf) = vrcp.f32 v1  }
0x10d: {  	(erf) = vpow2.f32 v0;
	_ =	sdelay $0x7  }
0x10e: {  	v59 =	vpop (erf)  }
0x10f: {  	v60 =	vpop (erf)  }
0x110: {  	v1 =	vadd.f32 $1.000000000e+00, v60;
	_ =	sdelay $0x1  }
0x111: {  	(erf) = vrcp.f32 v1;
	_ =	sdelay $0x1  }
0x112: {  	v61 =	vlaneseq.u32  }
0x113: {  	v1 =	vmul.u32 $0x2, v61;
	_ =	sdelay $0x1  }
0x114: {  	v62 =	vor.u32 $0x1, v1;
	_ =	sdelay $0x2  }
0x115: {  	s30 =	simm.s32 $0x3B60  }
0x116: {  	[tilespmem:v1+s30+$0x0] =	vst.idx.msk $0xffff, v59;
	v63 =	vpop (erf)  }
0x117: {  	s3 =	simm.s32 $0x0;
	s31 =	simm.s32 $0x2;
	[tilespmem:v62+s30+$0x0] =	vst.idx.msk $0xffff, v63  }
0x118: {  	[hbm4b:s1+s3] =	stream.linear.scatter [tilespmem:s30], [sflag:$0x2], $0x20, $0x38;
	[tilespmem:$0x3BE0] =	vst v63  }
0x119: {  	_ =	swait.ge [sflag:s31], $0x20  }
0x11a: {  	[sflag:s31] =	ssyncset.done $0x0  }
0x11b: {  	[sflag:s31] =	ssyncadd.s32 $0xFFFFFFE0  }
0x11c: {  	_ =	sfence.sel $0x180000  }
0x11d: {  	[bflag:$0x0] =	sbarrier.arrive $0xFFFF  }
0x11e: {  	_ =	strace $0x90000047  }
0x11f: {  	s0 =	sadd.s32 $0x100000, s0;
	[bflag:$0x2] =	sbarrier.arrive $0xFFFF  }
0x120: {  	[sflag:s0] =	ssyncadd.tile.s32 $0x1;
	_ =	shalt  }
.Lfunc_end2:
_tile_overlayer_lowered:
.L_overlay_start_2:
0x121: {  	(tag) =	ssettag $0x2  }
0x122: {  	s0 =	rddreg [dreg:$0x0];
	s2 =	stileid.u32  }
0x123: {  	s1 =	rddreg [dreg:$0x1];
	p0 =	sne.s32 s2, $0x0  }
0x124: {  	s3 =	rddreg [dreg:$0x2];
	[bflag:$0x3] =	sbarrier.arrive $0xFFFF;
	s2 =	simm.s32 @!p0 $0x1C02  }
0x125: {  	[timem:s3], [sflag:s2] =	dma.local @!p0 [hbm:s0], s1  }
0x126: {  	s0 =	simm.s32 @!p0 $0x2  }
0x127: {  	_ =	swait.ge @!p0 [sflag:s0], s1  }
0x128: {  	s1 =	ssub.s32 @!p0 $0x0, s1;
	[sflag:s0] =	ssyncset.done @!p0 $0x0  }
0x129: {  	[sflag:s0] =	ssyncadd.s32 @!p0 s1  }
0x12a: {  	[bflag:$0x3] =	sbarrier.arrive $0xFFFF  }
0x12b: {  	_ =	shalt  }

</sc_bundles>
